<compile_context>
chip_gen: v7x
topology: tpu7x:2x2x1
jax: 0.10.2.dev20260603
libtpu: 0.0.44.dev20260713+nightly
codegen_flags: <defaults>
</compile_context>

<pallas_src>
import functools

import jax
import jax.numpy as jnp
from jax import lax
from jax.experimental import pallas as pl
from jax.experimental.pallas import tpu as pltpu
from jax.experimental.pallas import tpu_sc as plsc

_EPS = 1e-06
_D_OUT = 2048


def _table_body(emb_ref, nw_ref, pw_ref, out_ref):
    vocab = emb_ref.shape[0]
    n_rep = out_ref.shape[0] // vocab
    emb = emb_ref[...]
    normed = emb * lax.rsqrt(jnp.mean(emb * emb, axis=-1, keepdims=True) + _EPS)
    normed = normed * nw_ref[...]
    proj = lax.dot_general(
        normed, pw_ref[...], (((1,), (1,)), ((), ())),
        preferred_element_type=jnp.float32)
    res = proj * lax.rsqrt(
        jnp.mean(proj * proj, axis=-1, keepdims=True) + _EPS)
    for r in range(n_rep):
        out_ref[pl.ds(r * vocab, vocab), :] = res


def _make_gather(vocab, d, batch, n_rep, t_sc):
    info = plsc.get_sparse_core_info()
    nc, ns = info.num_cores, info.num_subcores
    nw = nc * ns
    assert t_sc % (8 * nw) == 0
    b_per_w = t_sc // nw
    chunk = 8
    nbuf = 4
    n_chunks = b_per_w // chunk
    assert n_chunks % nbuf == 0 and (n_chunks - 4) % nbuf == 0
    mesh = plsc.VectorSubcoreMesh(core_axis_name="c", subcore_axis_name="s")

    @functools.partial(
        pl.kernel,
        mesh=mesh,
        out_type=jax.ShapeDtypeStruct((batch, d), jnp.float32),
        scratch_types=(
            [pltpu.VMEM((b_per_w,), jnp.int32)]
            + [pltpu.VMEM((chunk, d), jnp.float32)] * nbuf
            + [pltpu.SemaphoreType.DMA] * (2 * nbuf)
        ),
    )
    def gather(table_hbm, ids_hbm, out_hbm, idx_v, *bufsem):
        bufs = bufsem[:nbuf]
        gsems = bufsem[nbuf:2 * nbuf]
        wsems = bufsem[2 * nbuf:]
        wid = lax.axis_index("s") * nc + lax.axis_index("c")
        base = wid * b_per_w
        pltpu.sync_copy(ids_hbm.at[pl.ds(base, b_per_w)], idx_v)

        off = (wid % n_rep) * vocab

        def bias(j, _):
            idx_v[pl.ds(j * 16, 16)] = idx_v[pl.ds(j * 16, 16)] + off
            return 0

        lax.fori_loop(0, b_per_w // 16, bias, 0)

        def start_gather(i, b):
            pltpu.async_copy(
                table_hbm.at[idx_v.at[pl.ds(i * chunk, chunk)]],
                bufs[b], gsems[b])

        def wait_gather(b):
            pltpu.make_async_copy(
                table_hbm.at[idx_v.at[pl.ds(0, chunk)]],
                bufs[b], gsems[b]).wait()

        def start_write(i, b):
            pltpu.async_copy(
                bufs[b], out_hbm.at[pl.ds(base + i * chunk, chunk)], wsems[b])

        def wait_write(b):
            pltpu.make_async_copy(
                bufs[b], out_hbm.at[pl.ds(base, chunk)], wsems[b]).wait()

        start_gather(0, 0)
        start_gather(1, 1)
        for i in (0, 1):
            wait_gather(i)
            start_write(i, i)
            start_gather(i + 2, i + 2)

        def body(p, _):
            for par in range(nbuf):
                i = p * nbuf + par + 2
                b = (par + 2) % nbuf
                wait_gather(b)
                start_write(i, b)
                wait_write(par)
                start_gather(i + 2, par)
            return 0

        lax.fori_loop(0, (n_chunks - 4) // nbuf, body, 0)

        for i in (n_chunks - 2, n_chunks - 1):
            b = i % nbuf
            wait_gather(b)
            start_write(i, b)
        for b in range(nbuf):
            wait_write(b)

    return gather


def _onehot_fill_body(ids_ref, table_ref, prev_ref, out_ref):
    del prev_ref
    ids = ids_ref[0, 0]
    onehot = (ids[:, None] == lax.broadcasted_iota(
        jnp.int32, (1, table_ref.shape[0]), 1)).astype(jnp.float32)
    table = table_ref[...]
    hi = table.astype(jnp.bfloat16).astype(jnp.float32)
    lo = table - hi
    dn = (((1,), (0,)), ((), ()))
    out_ref[...] = (
        lax.dot_general(onehot, hi, dn, preferred_element_type=jnp.float32)
        + lax.dot_general(onehot, lo, dn, preferred_element_type=jnp.float32))


def _tc_fill(table, ids, prev_out, row_off, vocab, bt=512):
    (t,) = ids.shape
    d = table.shape[1]
    total = prev_out.shape[0]
    assert t % bt == 0 and row_off % bt == 0
    grid = t // bt
    off_blocks = row_off // bt
    return pl.pallas_call(
        _onehot_fill_body,
        grid=(grid,),
        in_specs=[
            pl.BlockSpec((1, 1, bt), lambda i: (i, 0, 0)),
            pl.BlockSpec((vocab, d), lambda i: (0, 0)),
            pl.BlockSpec(memory_space=pl.ANY),
        ],
        out_specs=pl.BlockSpec((bt, d), lambda i: (i + off_blocks, 0)),
        out_shape=jax.ShapeDtypeStruct((total, d), jnp.float32),
        input_output_aliases={2: 0},
    )(ids.reshape(grid, 1, bt), table, prev_out)


def kernel(input_ids, embedding, hard_norm_weight, proj_weight):
    vocab, mm_hidden = embedding.shape
    b, s = input_ids.shape
    n_rep = 8
    t_sc = 8192
    table_rep = pl.pallas_call(
        _table_body,
        out_shape=jax.ShapeDtypeStruct((n_rep * vocab, _D_OUT), jnp.float32),
    )(embedding, hard_norm_weight.reshape(1, mm_hidden), proj_weight)
    ids_flat = input_ids.reshape(b * s).astype(jnp.int32)
    gather = _make_gather(vocab, _D_OUT, b * s, n_rep, t_sc)
    out_sc = gather(table_rep, ids_flat)
    out = _tc_fill(table_rep, ids_flat[t_sc:], out_sc, t_sc, vocab)
    return out.reshape(b, s, _D_OUT)

# --- scband reference (transcript-rebuilt; emitter-appended) ---
"""Pipeline reference for scband-mini-gpt4-omultimodal-embedder-46059229282615 (READ-ONLY COPY).

The authoritative reference and input builder live on the scoring server;
editing this copy changes nothing except your own understanding.
"""

import jax, jax.numpy as jnp
import numpy as np

VOCAB_SIZE = 128
VOCAB_OFFSET = 0
MM_HIDDEN = 1536
TEXT_HIDDEN = 2048
EPS = 1e-06


def _rms_norm(x, weight, eps=EPS):
    xf = x.astype(jnp.float32)
    normed = xf * jax.lax.rsqrt(jnp.mean(xf * xf, axis=-1, keepdims=True) + eps)
    return (normed * weight).astype(x.dtype)


def setup_inputs(seed: int = 0) -> dict:
    key = jax.random.key(seed)
    k1, k2, k3 = jax.random.split(key, 3)
    input_ids = jax.random.randint(k1, (4, 8192), 0, VOCAB_SIZE)
    embedding = jax.random.normal(k2, (VOCAB_SIZE, MM_HIDDEN), dtype=jnp.float32) * 0.02
    hard_norm_weight = jnp.ones((MM_HIDDEN,), dtype=jnp.float32)
    proj_weight = jax.random.normal(k3, (TEXT_HIDDEN, MM_HIDDEN), dtype=jnp.float32) * 0.02
    return {
        "input_ids": input_ids,
        "embedding": embedding,
        "hard_norm_weight": hard_norm_weight,
        "proj_weight": proj_weight,
    }


def reference(input_ids, embedding, hard_norm_weight, proj_weight):
    # hard-token path of MiniGPT4OMultimodalEmbedder.forward(input_ids=...)
    # embedding lookup with vocab offset
    hard_emb = jnp.take(embedding, input_ids - VOCAB_OFFSET, axis=0)
    # hard_embedding_norm (RMSNorm with scale)
    emb_norm = _rms_norm(hard_emb, hard_norm_weight)
    # embedding_projection: Linear(mm_hidden -> text_hidden, bias=False)
    proj = jnp.einsum("bsd,td->bst", emb_norm, proj_weight)
    # embedding_post_projection_norm (RMSNorm without scale -> weight = 1.0)
    out = _rms_norm(proj, jnp.float32(1.0))
    return out

if __name__ == "__main__":
    import jax
    _d = setup_inputs()
    print(jax.jit(kernel)(*tuple(_d.values())))

</pallas_src>

<mosaic_0001>
#map = affine_map<(d0, d1) -> (0, 0)>
#map1 = affine_map<(d0, d1) -> (0)>
module attributes {stable_mosaic.version = 14 : i64} {
  func.func @gather(%arg0: i32, %arg1: i32, %arg2: memref<1024x2048xf32, #tpu.memory_space<hbm>>, %arg3: memref<32768xi32, #tpu.memory_space<hbm>>, %arg4: memref<32768x2048xf32, #tpu.memory_space<hbm>>, %arg5: memref<256xi32, #tpu.memory_space<vmem>>, %arg6: memref<8x2048xf32, #tpu.memory_space<vmem>>, %arg7: memref<8x2048xf32, #tpu.memory_space<vmem>>, %arg8: memref<8x2048xf32, #tpu.memory_space<vmem>>, %arg9: memref<8x2048xf32, #tpu.memory_space<vmem>>, %arg10: memref<!tpu.dma_semaphore, #tpu.memory_space<semaphore_mem>>, %arg11: memref<!tpu.dma_semaphore, #tpu.memory_space<semaphore_mem>>, %arg12: memref<!tpu.dma_semaphore, #tpu.memory_space<semaphore_mem>>, %arg13: memref<!tpu.dma_semaphore, #tpu.memory_space<semaphore_mem>>, %arg14: memref<!tpu.dma_semaphore, #tpu.memory_space<semaphore_mem>>, %arg15: memref<!tpu.dma_semaphore, #tpu.memory_space<semaphore_mem>>, %arg16: memref<!tpu.dma_semaphore, #tpu.memory_space<semaphore_mem>>, %arg17: memref<!tpu.dma_semaphore, #tpu.memory_space<semaphore_mem>>) attributes {dimension_semantics = [#tpu.dimension_semantics<core_parallel>, #tpu.dimension_semantics<subcore_parallel>], iteration_bounds = array<i64: 2, 16>, scalar_prefetch = 0 : i64, scratch_operands = 13 : i64, tpu.core_type = #tpu.core_type<sc_vector_subcore>, window_params = [{transform_indices = #map}, {transform_indices = #map1}, {transform_indices = #map}]} {
    %mul3A = arith.constant 2 : i32
    %mul3A_0 = arith.muli %arg1, %mul3A : i32
    %add3A = arith.addi %mul3A_0, %arg0 : i32
    %mul3A_1 = arith.constant 256 : i32
    %mul3A_2 = arith.muli %add3A, %mul3A_1 : i32
    "tpu.region"() ({
      %run_scoped3A = tpu.sem_alloc : memref<!tpu.dma_semaphore, #tpu.memory_space<semaphore_mem>>
      %dma_start3A_105 = tpu.memref_slice %arg3[%mul3A_2] : memref<32768xi32, #tpu.memory_space<hbm>> -> memref<256xi32, #tpu.memory_space<hbm>>
      %dma_start3A_106 = tpu.memref_slice %arg3[%mul3A_2] : memref<32768xi32, #tpu.memory_space<hbm>> -> memref<256xi32, #tpu.memory_space<hbm>>
      tpu.enqueue_dma source(%dma_start3A_106 : memref<256xi32, #tpu.memory_space<hbm>>) target(%arg5 : memref<256xi32, #tpu.memory_space<vmem>>) target_semaphore(%run_scoped3A : memref<!tpu.dma_semaphore, #tpu.memory_space<semaphore_mem>>)
      %dma_wait3A_107 = tpu.memref_slice %arg3[%mul3A_2] : memref<32768xi32, #tpu.memory_space<hbm>> -> memref<256xi32, #tpu.memory_space<hbm>>
      %dma_wait3A_108 = tpu.memref_slice %arg3[%mul3A_2] : memref<32768xi32, #tpu.memory_space<hbm>> -> memref<256xi32, #tpu.memory_space<hbm>>
      tpu.wait_dma2 semaphore(%run_scoped3A : memref<!tpu.dma_semaphore, #tpu.memory_space<semaphore_mem>>) src(%dma_wait3A_108 : memref<256xi32, #tpu.memory_space<hbm>>) dst(%arg5 : memref<256xi32, #tpu.memory_space<vmem>>)
      tpu.yield
    }) : () -> ()
    %jit3A = arith.constant 8 : i32
    %eq3A = arith.constant 0 : i32
    %eq3A_3 = arith.cmpi eq, %jit3A, %eq3A : i32
    %jit3A_4 = arith.constant 1 : i32
    %select_n3A = arith.select %eq3A_3, %jit3A_4, %jit3A : i32
    %rem3A = arith.remsi %add3A, %select_n3A : i32
    %ne3A = arith.constant 0 : i32
    %ne3A_5 = arith.cmpi ne, %rem3A, %ne3A : i32
    %lt3A = arith.constant 0 : i32
    %lt3A_6 = arith.cmpi slt, %rem3A, %lt3A : i32
    %lt3A_7 = arith.constant 0 : i32
    %lt3A_8 = arith.cmpi slt, %select_n3A, %lt3A_7 : i32
    %ne3A_9 = arith.xori %lt3A_6, %lt3A_8 : i1
    %and3A = arith.andi %ne3A_9, %ne3A_5 : i1
    %add3A_10 = arith.addi %rem3A, %select_n3A : i32
    %select_n3A_11 = arith.select %and3A, %add3A_10, %rem3A : i32
    %mul3A_12 = arith.constant 128 : i32
    %mul3A_13 = arith.muli %select_n3A_11, %mul3A_12 : i32
    %scan3A = arith.constant 0 : i32
    %scan3A_14 = arith.constant 0 : i32
    %scan3A_15 = arith.constant 16 : i32
    %scan3A_16 = arith.addi %scan3A_14, %scan3A_15 : i32
    %scan3A_17 = arith.constant 1 : i32
    %scan3A_18 = scf.for %scan3A_105 = %scan3A_14 to %scan3A_16 step %scan3A_17 iter_args(%scan3A_106 = %scan3A) -> (i32)  : i32 {
      %mul3A_107 = arith.constant 16 : i32
      %mul3A_108 = arith.muli %scan3A_105, %mul3A_107 : i32
      %get3A = arith.index_cast %mul3A_108 : i32 to index
      %get3A_109 = tpu.vector_load %arg5[%get3A] {strides = array<i32>} : memref<256xi32, #tpu.memory_space<vmem>>, vector<16xi32>,
      %get3A_110 = vector.shape_cast %get3A_109 : vector<16xi32> to vector<16xi32>
      %add3A_111 = vector.broadcast %mul3A_13 : i32 to vector<16xi32>
      %add3A_112 = arith.addi %get3A_110, %add3A_111 : vector<16xi32>
      %mul3A_113 = arith.constant 16 : i32
      %mul3A_114 = arith.muli %scan3A_105, %mul3A_113 : i32
      %swap3A = arith.index_cast %mul3A_114 : i32 to index
      %swap3A_115 = tpu.vector_load %arg5[%swap3A] {strides = array<i32>} : memref<256xi32, #tpu.memory_space<vmem>>, vector<16xi32>,
      %swap3A_116 = vector.shape_cast %swap3A_115 : vector<16xi32> to vector<16xi32>
      %swap3A_117 = vector.shape_cast %add3A_112 : vector<16xi32> to vector<16xi32>
      tpu.vector_store %arg5[%swap3A], %swap3A_117 {strides = array<i32>} : memref<256xi32, #tpu.memory_space<vmem>>, vector<16xi32>,
      %scan3A_118 = arith.constant 0 : i32
      scf.yield %scan3A_118 : i32
    }
    %scan3A_19 = arith.constant 16 : i32
    %dma_start3A = arith.constant 0 : i32
    %dma_start3A_20 = tpu.memref_slice %arg5[%dma_start3A] : memref<256xi32, #tpu.memory_space<vmem>> -> memref<8xi32, #tpu.memory_space<vmem>>
    %dma_start3A_21 = arith.constant 0 : i32
    %dma_start3A_22 = arith.constant 0 : i32
    %dma_start3A_23 = tpu.memref_slice %arg2[%dma_start3A_21, %dma_start3A_22] : memref<1024x2048xf32, #tpu.memory_space<hbm>> -> memref<1024x2048xf32, #tpu.memory_space<hbm>>
    tpu.enqueue_indirect_dma source(%dma_start3A_23 : memref<1024x2048xf32, #tpu.memory_space<hbm>>) target(%arg6 : memref<8x2048xf32, #tpu.memory_space<vmem>>) offsets(%dma_start3A_20 : memref<8xi32, #tpu.memory_space<vmem>>) semaphore(%arg10 : memref<!tpu.dma_semaphore, #tpu.memory_space<semaphore_mem>>)
    %dma_start3A_24 = arith.constant 8 : i32
    %dma_start3A_25 = tpu.memref_slice %arg5[%dma_start3A_24] : memref<256xi32, #tpu.memory_space<vmem>> -> memref<8xi32, #tpu.memory_space<vmem>>
    %dma_start3A_26 = arith.constant 0 : i32
    %dma_start3A_27 = arith.constant 0 : i32
    %dma_start3A_28 = tpu.memref_slice %arg2[%dma_start3A_26, %dma_start3A_27] : memref<1024x2048xf32, #tpu.memory_space<hbm>> -> memref<1024x2048xf32, #tpu.memory_space<hbm>>
    tpu.enqueue_indirect_dma source(%dma_start3A_28 : memref<1024x2048xf32, #tpu.memory_space<hbm>>) target(%arg7 : memref<8x2048xf32, #tpu.memory_space<vmem>>) offsets(%dma_start3A_25 : memref<8xi32, #tpu.memory_space<vmem>>) semaphore(%arg11 : memref<!tpu.dma_semaphore, #tpu.memory_space<semaphore_mem>>)
    %dma_wait3A = arith.constant 0 : i32
    %dma_wait3A_29 = tpu.memref_slice %arg5[%dma_wait3A] : memref<256xi32, #tpu.memory_space<vmem>> -> memref<8xi32, #tpu.memory_space<vmem>>
    %dma_wait3A_30 = arith.constant 0 : i32
    %dma_wait3A_31 = arith.constant 0 : i32
    %dma_wait3A_32 = tpu.memref_slice %arg2[%dma_wait3A_30, %dma_wait3A_31] : memref<1024x2048xf32, #tpu.memory_space<hbm>> -> memref<1024x2048xf32, #tpu.memory_space<hbm>>
    tpu.wait_indirect_dma semaphore(%arg10 : memref<!tpu.dma_semaphore, #tpu.memory_space<semaphore_mem>>) src(%dma_wait3A_32 : memref<1024x2048xf32, #tpu.memory_space<hbm>>) dst(%arg6 : memref<8x2048xf32, #tpu.memory_space<vmem>>)
    %add3A_33 = arith.constant 0 : i32
    %add3A_34 = arith.addi %mul3A_2, %add3A_33 : i32
    %dma_start3A_35 = arith.constant 0 : i32
    %dma_start3A_36 = tpu.memref_slice %arg4[%add3A_34, %dma_start3A_35] : memref<32768x2048xf32, #tpu.memory_space<hbm>> -> memref<8x2048xf32, #tpu.memory_space<hbm>>
    %dma_start3A_37 = arith.constant 0 : i32
    %dma_start3A_38 = tpu.memref_slice %arg4[%add3A_34, %dma_start3A_37] : memref<32768x2048xf32, #tpu.memory_space<hbm>> -> memref<8x2048xf32, #tpu.memory_space<hbm>>
    tpu.enqueue_dma source(%arg6 : memref<8x2048xf32, #tpu.memory_space<vmem>>) target(%dma_start3A_38 : memref<8x2048xf32, #tpu.memory_space<hbm>>) target_semaphore(%arg14 : memref<!tpu.dma_semaphore, #tpu.memory_space<semaphore_mem>>)
    %dma_start3A_39 = arith.constant 16 : i32
    %dma_start3A_40 = tpu.memref_slice %arg5[%dma_start3A_39] : memref<256xi32, #tpu.memory_space<vmem>> -> memref<8xi32, #tpu.memory_space<vmem>>
    %dma_start3A_41 = arith.constant 0 : i32
    %dma_start3A_42 = arith.constant 0 : i32
    %dma_start3A_43 = tpu.memref_slice %arg2[%dma_start3A_41, %dma_start3A_42] : memref<1024x2048xf32, #tpu.memory_space<hbm>> -> memref<1024x2048xf32, #tpu.memory_space<hbm>>
    tpu.enqueue_indirect_dma source(%dma_start3A_43 : memref<1024x2048xf32, #tpu.memory_space<hbm>>) target(%arg8 : memref<8x2048xf32, #tpu.memory_space<vmem>>) offsets(%dma_start3A_40 : memref<8xi32, #tpu.memory_space<vmem>>) semaphore(%arg12 : memref<!tpu.dma_semaphore, #tpu.memory_space<semaphore_mem>>)
    %dma_wait3A_44 = arith.constant 0 : i32
    %dma_wait3A_45 = tpu.memref_slice %arg5[%dma_wait3A_44] : memref<256xi32, #tpu.memory_space<vmem>> -> memref<8xi32, #tpu.memory_space<vmem>>
    %dma_wait3A_46 = arith.constant 0 : i32
    %dma_wait3A_47 = arith.constant 0 : i32
    %dma_wait3A_48 = tpu.memref_slice %arg2[%dma_wait3A_46, %dma_wait3A_47] : memref<1024x2048xf32, #tpu.memory_space<hbm>> -> memref<1024x2048xf32, #tpu.memory_space<hbm>>
    tpu.wait_indirect_dma semaphore(%arg11 : memref<!tpu.dma_semaphore, #tpu.memory_space<semaphore_mem>>) src(%dma_wait3A_48 : memref<1024x2048xf32, #tpu.memory_space<hbm>>) dst(%arg7 : memref<8x2048xf32, #tpu.memory_space<vmem>>)
    %add3A_49 = arith.constant 8 : i32
    %add3A_50 = arith.addi %mul3A_2, %add3A_49 : i32
    %dma_start3A_51 = arith.constant 0 : i32
    %dma_start3A_52 = tpu.memref_slice %arg4[%add3A_50, %dma_start3A_51] : memref<32768x2048xf32, #tpu.memory_space<hbm>> -> memref<8x2048xf32, #tpu.memory_space<hbm>>
    %dma_start3A_53 = arith.constant 0 : i32
    %dma_start3A_54 = tpu.memref_slice %arg4[%add3A_50, %dma_start3A_53] : memref<32768x2048xf32, #tpu.memory_space<hbm>> -> memref<8x2048xf32, #tpu.memory_space<hbm>>
    tpu.enqueue_dma source(%arg7 : memref<8x2048xf32, #tpu.memory_space<vmem>>) target(%dma_start3A_54 : memref<8x2048xf32, #tpu.memory_space<hbm>>) target_semaphore(%arg15 : memref<!tpu.dma_semaphore, #tpu.memory_space<semaphore_mem>>)
    %dma_start3A_55 = arith.constant 24 : i32
    %dma_start3A_56 = tpu.memref_slice %arg5[%dma_start3A_55] : memref<256xi32, #tpu.memory_space<vmem>> -> memref<8xi32, #tpu.memory_space<vmem>>
    %dma_start3A_57 = arith.constant 0 : i32
    %dma_start3A_58 = arith.constant 0 : i32
    %dma_start3A_59 = tpu.memref_slice %arg2[%dma_start3A_57, %dma_start3A_58] : memref<1024x2048xf32, #tpu.memory_space<hbm>> -> memref<1024x2048xf32, #tpu.memory_space<hbm>>
    tpu.enqueue_indirect_dma source(%dma_start3A_59 : memref<1024x2048xf32, #tpu.memory_space<hbm>>) target(%arg9 : memref<8x2048xf32, #tpu.memory_space<vmem>>) offsets(%dma_start3A_56 : memref<8xi32, #tpu.memory_space<vmem>>) semaphore(%arg13 : memref<!tpu.dma_semaphore, #tpu.memory_space<semaphore_mem>>)
    %scan3A_60 = arith.constant 0 : i32
    %scan3A_61 = arith.constant 0 : i32
    %scan3A_62 = arith.constant 7 : i32
    %scan3A_63 = arith.addi %scan3A_61, %scan3A_62 : i32
    %scan3A_64 = arith.constant 1 : i32
    %scan3A_65 = scf.for %scan3A_105 = %scan3A_61 to %scan3A_63 step %scan3A_64 iter_args(%scan3A_106 = %scan3A_60) -> (i32)  : i32 {
      %mul3A_107 = arith.constant 4 : i32
      %mul3A_108 = arith.muli %scan3A_105, %mul3A_107 : i32
      %add3A_109 = arith.constant 0 : i32
      %add3A_110 = arith.addi %mul3A_108, %add3A_109 : i32
      %add3A_111 = arith.constant 2 : i32
      %add3A_112 = arith.addi %add3A_110, %add3A_111 : i32
      %dma_wait3A_113 = arith.constant 0 : i32
      %dma_wait3A_114 = tpu.memref_slice %arg5[%dma_wait3A_113] : memref<256xi32, #tpu.memory_space<vmem>> -> memref<8xi32, #tpu.memory_space<vmem>>
      %dma_wait3A_115 = arith.constant 0 : i32
      %dma_wait3A_116 = arith.constant 0 : i32
      %dma_wait3A_117 = tpu.memref_slice %arg2[%dma_wait3A_115, %dma_wait3A_116] : memref<1024x2048xf32, #tpu.memory_space<hbm>> -> memref<1024x2048xf32, #tpu.memory_space<hbm>>
      tpu.wait_indirect_dma semaphore(%arg12 : memref<!tpu.dma_semaphore, #tpu.memory_space<semaphore_mem>>) src(%dma_wait3A_117 : memref<1024x2048xf32, #tpu.memory_space<hbm>>) dst(%arg8 : memref<8x2048xf32, #tpu.memory_space<vmem>>)
      %mul3A_118 = arith.constant 8 : i32
      %mul3A_119 = arith.muli %add3A_112, %mul3A_118 : i32
      %add3A_120 = arith.addi %mul3A_2, %mul3A_119 : i32
      %dma_start3A_121 = arith.constant 0 : i32
      %dma_start3A_122 = tpu.memref_slice %arg4[%add3A_120, %dma_start3A_121] : memref<32768x2048xf32, #tpu.memory_space<hbm>> -> memref<8x2048xf32, #tpu.memory_space<hbm>>
      %dma_start3A_123 = arith.constant 0 : i32
      %dma_start3A_124 = tpu.memref_slice %arg4[%add3A_120, %dma_start3A_123] : memref<32768x2048xf32, #tpu.memory_space<hbm>> -> memref<8x2048xf32, #tpu.memory_space<hbm>>
      tpu.enqueue_dma source(%arg8 : memref<8x2048xf32, #tpu.memory_space<vmem>>) target(%dma_start3A_124 : memref<8x2048xf32, #tpu.memory_space<hbm>>) target_semaphore(%arg16 : memref<!tpu.dma_semaphore, #tpu.memory_space<semaphore_mem>>)
      %dma_wait3A_125 = arith.constant 0 : i32
      %dma_wait3A_126 = tpu.memref_slice %arg4[%mul3A_2, %dma_wait3A_125] : memref<32768x2048xf32, #tpu.memory_space<hbm>> -> memref<8x2048xf32, #tpu.memory_space<hbm>>
      %dma_wait3A_127 = arith.constant 0 : i32
      %dma_wait3A_128 = tpu.memref_slice %arg4[%mul3A_2, %dma_wait3A_127] : memref<32768x2048xf32, #tpu.memory_space<hbm>> -> memref<8x2048xf32, #tpu.memory_space<hbm>>
      tpu.wait_dma2 semaphore(%arg14 : memref<!tpu.dma_semaphore, #tpu.memory_space<semaphore_mem>>) src(%arg6 : memref<8x2048xf32, #tpu.memory_space<vmem>>) dst(%dma_wait3A_128 : memref<8x2048xf32, #tpu.memory_space<hbm>>)
      %add3A_129 = arith.constant 2 : i32
      %add3A_130 = arith.addi %add3A_112, %add3A_129 : i32
      %mul3A_131 = arith.constant 8 : i32
      %mul3A_132 = arith.muli %add3A_130, %mul3A_131 : i32
      %dma_start3A_133 = tpu.memref_slice %arg5[%mul3A_132] : memref<256xi32, #tpu.memory_space<vmem>> -> memref<8xi32, #tpu.memory_space<vmem>>
      %dma_start3A_134 = arith.constant 0 : i32
      %dma_start3A_135 = arith.constant 0 : i32
      %dma_start3A_136 = tpu.memref_slice %arg2[%dma_start3A_134, %dma_start3A_135] : memref<1024x2048xf32, #tpu.memory_space<hbm>> -> memref<1024x2048xf32, #tpu.memory_space<hbm>>
      tpu.enqueue_indirect_dma source(%dma_start3A_136 : memref<1024x2048xf32, #tpu.memory_space<hbm>>) target(%arg6 : memref<8x2048xf32, #tpu.memory_space<vmem>>) offsets(%dma_start3A_133 : memref<8xi32, #tpu.memory_space<vmem>>) semaphore(%arg10 : memref<!tpu.dma_semaphore, #tpu.memory_space<semaphore_mem>>)
      %mul3A_137 = arith.constant 4 : i32
      %mul3A_138 = arith.muli %scan3A_105, %mul3A_137 : i32
      %add3A_139 = arith.constant 1 : i32
      %add3A_140 = arith.addi %mul3A_138, %add3A_139 : i32
      %add3A_141 = arith.constant 2 : i32
      %add3A_142 = arith.addi %add3A_140, %add3A_141 : i32
      %dma_wait3A_143 = arith.constant 0 : i32
      %dma_wait3A_144 = tpu.memref_slice %arg5[%dma_wait3A_143] : memref<256xi32, #tpu.memory_space<vmem>> -> memref<8xi32, #tpu.memory_space<vmem>>
      %dma_wait3A_145 = arith.constant 0 : i32
      %dma_wait3A_146 = arith.constant 0 : i32
      %dma_wait3A_147 = tpu.memref_slice %arg2[%dma_wait3A_145, %dma_wait3A_146] : memref<1024x2048xf32, #tpu.memory_space<hbm>> -> memref<1024x2048xf32, #tpu.memory_space<hbm>>
      tpu.wait_indirect_dma semaphore(%arg13 : memref<!tpu.dma_semaphore, #tpu.memory_space<semaphore_mem>>) src(%dma_wait3A_147 : memref<1024x2048xf32, #tpu.memory_space<hbm>>) dst(%arg9 : memref<8x2048xf32, #tpu.memory_space<vmem>>)
      %mul3A_148 = arith.constant 8 : i32
      %mul3A_149 = arith.muli %add3A_142, %mul3A_148 : i32
      %add3A_150 = arith.addi %mul3A_2, %mul3A_149 : i32
      %dma_start3A_151 = arith.constant 0 : i32
      %dma_start3A_152 = tpu.memref_slice %arg4[%add3A_150, %dma_start3A_151] : memref<32768x2048xf32, #tpu.memory_space<hbm>> -> memref<8x2048xf32, #tpu.memory_space<hbm>>
      %dma_start3A_153 = arith.constant 0 : i32
      %dma_start3A_154 = tpu.memref_slice %arg4[%add3A_150, %dma_start3A_153] : memref<32768x2048xf32, #tpu.memory_space<hbm>> -> memref<8x2048xf32, #tpu.memory_space<hbm>>
      tpu.enqueue_dma source(%arg9 : memref<8x2048xf32, #tpu.memory_space<vmem>>) target(%dma_start3A_154 : memref<8x2048xf32, #tpu.memory_space<hbm>>) target_semaphore(%arg17 : memref<!tpu.dma_semaphore, #tpu.memory_space<semaphore_mem>>)
      %dma_wait3A_155 = arith.constant 0 : i32
      %dma_wait3A_156 = tpu.memref_slice %arg4[%mul3A_2, %dma_wait3A_155] : memref<32768x2048xf32, #tpu.memory_space<hbm>> -> memref<8x2048xf32, #tpu.memory_space<hbm>>
      %dma_wait3A_157 = arith.constant 0 : i32
      %dma_wait3A_158 = tpu.memref_slice %arg4[%mul3A_2, %dma_wait3A_157] : memref<32768x2048xf32, #tpu.memory_space<hbm>> -> memref<8x2048xf32, #tpu.memory_space<hbm>>
      tpu.wait_dma2 semaphore(%arg15 : memref<!tpu.dma_semaphore, #tpu.memory_space<semaphore_mem>>) src(%arg7 : memref<8x2048xf32, #tpu.memory_space<vmem>>) dst(%dma_wait3A_158 : memref<8x2048xf32, #tpu.memory_space<hbm>>)
      %add3A_159 = arith.constant 2 : i32
      %add3A_160 = arith.addi %add3A_142, %add3A_159 : i32
      %mul3A_161 = arith.constant 8 : i32
      %mul3A_162 = arith.muli %add3A_160, %mul3A_161 : i32
      %dma_start3A_163 = tpu.memref_slice %arg5[%mul3A_162] : memref<256xi32, #tpu.memory_space<vmem>> -> memref<8xi32, #tpu.memory_space<vmem>>
      %dma_start3A_164 = arith.constant 0 : i32
      %dma_start3A_165 = arith.constant 0 : i32
      %dma_start3A_166 = tpu.memref_slice %arg2[%dma_start3A_164, %dma_start3A_165] : memref<1024x2048xf32, #tpu.memory_space<hbm>> -> memref<1024x2048xf32, #tpu.memory_space<hbm>>
      tpu.enqueue_indirect_dma source(%dma_start3A_166 : memref<1024x2048xf32, #tpu.memory_space<hbm>>) target(%arg7 : memref<8x2048xf32, #tpu.memory_space<vmem>>) offsets(%dma_start3A_163 : memref<8xi32, #tpu.memory_space<vmem>>) semaphore(%arg11 : memref<!tpu.dma_semaphore, #tpu.memory_space<semaphore_mem>>)
      %mul3A_167 = arith.constant 4 : i32
      %mul3A_168 = arith.muli %scan3A_105, %mul3A_167 : i32
      %add3A_169 = arith.constant 2 : i32
      %add3A_170 = arith.addi %mul3A_168, %add3A_169 : i32
      %add3A_171 = arith.constant 2 : i32
      %add3A_172 = arith.addi %add3A_170, %add3A_171 : i32
      %dma_wait3A_173 = arith.constant 0 : i32
      %dma_wait3A_174 = tpu.memref_slice %arg5[%dma_wait3A_173] : memref<256xi32, #tpu.memory_space<vmem>> -> memref<8xi32, #tpu.memory_space<vmem>>
      %dma_wait3A_175 = arith.constant 0 : i32
      %dma_wait3A_176 = arith.constant 0 : i32
      %dma_wait3A_177 = tpu.memref_slice %arg2[%dma_wait3A_175, %dma_wait3A_176] : memref<1024x2048xf32, #tpu.memory_space<hbm>> -> memref<1024x2048xf32, #tpu.memory_space<hbm>>
      tpu.wait_indirect_dma semaphore(%arg10 : memref<!tpu.dma_semaphore, #tpu.memory_space<semaphore_mem>>) src(%dma_wait3A_177 : memref<1024x2048xf32, #tpu.memory_space<hbm>>) dst(%arg6 : memref<8x2048xf32, #tpu.memory_space<vmem>>)
      %mul3A_178 = arith.constant 8 : i32
      %mul3A_179 = arith.muli %add3A_172, %mul3A_178 : i32
      %add3A_180 = arith.addi %mul3A_2, %mul3A_179 : i32
      %dma_start3A_181 = arith.constant 0 : i32
      %dma_start3A_182 = tpu.memref_slice %arg4[%add3A_180, %dma_start3A_181] : memref<32768x2048xf32, #tpu.memory_space<hbm>> -> memref<8x2048xf32, #tpu.memory_space<hbm>>
      %dma_start3A_183 = arith.constant 0 : i32
      %dma_start3A_184 = tpu.memref_slice %arg4[%add3A_180, %dma_start3A_183] : memref<32768x2048xf32, #tpu.memory_space<hbm>> -> memref<8x2048xf32, #tpu.memory_space<hbm>>
      tpu.enqueue_dma source(%arg6 : memref<8x2048xf32, #tpu.memory_space<vmem>>) target(%dma_start3A_184 : memref<8x2048xf32, #tpu.memory_space<hbm>>) target_semaphore(%arg14 : memref<!tpu.dma_semaphore, #tpu.memory_space<semaphore_mem>>)
      %dma_wait3A_185 = arith.constant 0 : i32
      %dma_wait3A_186 = tpu.memref_slice %arg4[%mul3A_2, %dma_wait3A_185] : memref<32768x2048xf32, #tpu.memory_space<hbm>> -> memref<8x2048xf32, #tpu.memory_space<hbm>>
      %dma_wait3A_187 = arith.constant 0 : i32
      %dma_wait3A_188 = tpu.memref_slice %arg4[%mul3A_2, %dma_wait3A_187] : memref<32768x2048xf32, #tpu.memory_space<hbm>> -> memref<8x2048xf32, #tpu.memory_space<hbm>>
      tpu.wait_dma2 semaphore(%arg16 : memref<!tpu.dma_semaphore, #tpu.memory_space<semaphore_mem>>) src(%arg8 : memref<8x2048xf32, #tpu.memory_space<vmem>>) dst(%dma_wait3A_188 : memref<8x2048xf32, #tpu.memory_space<hbm>>)
      %add3A_189 = arith.constant 2 : i32
      %add3A_190 = arith.addi %add3A_172, %add3A_189 : i32
      %mul3A_191 = arith.constant 8 : i32
      %mul3A_192 = arith.muli %add3A_190, %mul3A_191 : i32
      %dma_start3A_193 = tpu.memref_slice %arg5[%mul3A_192] : memref<256xi32, #tpu.memory_space<vmem>> -> memref<8xi32, #tpu.memory_space<vmem>>
      %dma_start3A_194 = arith.constant 0 : i32
      %dma_start3A_195 = arith.constant 0 : i32
      %dma_start3A_196 = tpu.memref_slice %arg2[%dma_start3A_194, %dma_start3A_195] : memref<1024x2048xf32, #tpu.memory_space<hbm>> -> memref<1024x2048xf32, #tpu.memory_space<hbm>>
      tpu.enqueue_indirect_dma source(%dma_start3A_196 : memref<1024x2048xf32, #tpu.memory_space<hbm>>) target(%arg8 : memref<8x2048xf32, #tpu.memory_space<vmem>>) offsets(%dma_start3A_193 : memref<8xi32, #tpu.memory_space<vmem>>) semaphore(%arg12 : memref<!tpu.dma_semaphore, #tpu.memory_space<semaphore_mem>>)
      %mul3A_197 = arith.constant 4 : i32
      %mul3A_198 = arith.muli %scan3A_105, %mul3A_197 : i32
      %add3A_199 = arith.constant 3 : i32
      %add3A_200 = arith.addi %mul3A_198, %add3A_199 : i32
      %add3A_201 = arith.constant 2 : i32
      %add3A_202 = arith.addi %add3A_200, %add3A_201 : i32
      %dma_wait3A_203 = arith.constant 0 : i32
      %dma_wait3A_204 = tpu.memref_slice %arg5[%dma_wait3A_203] : memref<256xi32, #tpu.memory_space<vmem>> -> memref<8xi32, #tpu.memory_space<vmem>>
      %dma_wait3A_205 = arith.constant 0 : i32
      %dma_wait3A_206 = arith.constant 0 : i32
      %dma_wait3A_207 = tpu.memref_slice %arg2[%dma_wait3A_205, %dma_wait3A_206] : memref<1024x2048xf32, #tpu.memory_space<hbm>> -> memref<1024x2048xf32, #tpu.memory_space<hbm>>
      tpu.wait_indirect_dma semaphore(%arg11 : memref<!tpu.dma_semaphore, #tpu.memory_space<semaphore_mem>>) src(%dma_wait3A_207 : memref<1024x2048xf32, #tpu.memory_space<hbm>>) dst(%arg7 : memref<8x2048xf32, #tpu.memory_space<vmem>>)
      %mul3A_208 = arith.constant 8 : i32
      %mul3A_209 = arith.muli %add3A_202, %mul3A_208 : i32
      %add3A_210 = arith.addi %mul3A_2, %mul3A_209 : i32
      %dma_start3A_211 = arith.constant 0 : i32
      %dma_start3A_212 = tpu.memref_slice %arg4[%add3A_210, %dma_start3A_211] : memref<32768x2048xf32, #tpu.memory_space<hbm>> -> memref<8x2048xf32, #tpu.memory_space<hbm>>
      %dma_start3A_213 = arith.constant 0 : i32
      %dma_start3A_214 = tpu.memref_slice %arg4[%add3A_210, %dma_start3A_213] : memref<32768x2048xf32, #tpu.memory_space<hbm>> -> memref<8x2048xf32, #tpu.memory_space<hbm>>
      tpu.enqueue_dma source(%arg7 : memref<8x2048xf32, #tpu.memory_space<vmem>>) target(%dma_start3A_214 : memref<8x2048xf32, #tpu.memory_space<hbm>>) target_semaphore(%arg15 : memref<!tpu.dma_semaphore, #tpu.memory_space<semaphore_mem>>)
      %dma_wait3A_215 = arith.constant 0 : i32
      %dma_wait3A_216 = tpu.memref_slice %arg4[%mul3A_2, %dma_wait3A_215] : memref<32768x2048xf32, #tpu.memory_space<hbm>> -> memref<8x2048xf32, #tpu.memory_space<hbm>>
      %dma_wait3A_217 = arith.constant 0 : i32
      %dma_wait3A_218 = tpu.memref_slice %arg4[%mul3A_2, %dma_wait3A_217] : memref<32768x2048xf32, #tpu.memory_space<hbm>> -> memref<8x2048xf32, #tpu.memory_space<hbm>>
      tpu.wait_dma2 semaphore(%arg17 : memref<!tpu.dma_semaphore, #tpu.memory_space<semaphore_mem>>) src(%arg9 : memref<8x2048xf32, #tpu.memory_space<vmem>>) dst(%dma_wait3A_218 : memref<8x2048xf32, #tpu.memory_space<hbm>>)
      %add3A_219 = arith.constant 2 : i32
      %add3A_220 = arith.addi %add3A_202, %add3A_219 : i32
      %mul3A_221 = arith.constant 8 : i32
      %mul3A_222 = arith.muli %add3A_220, %mul3A_221 : i32
      %dma_start3A_223 = tpu.memref_slice %arg5[%mul3A_222] : memref<256xi32, #tpu.memory_space<vmem>> -> memref<8xi32, #tpu.memory_space<vmem>>
      %dma_start3A_224 = arith.constant 0 : i32
      %dma_start3A_225 = arith.constant 0 : i32
      %dma_start3A_226 = tpu.memref_slice %arg2[%dma_start3A_224, %dma_start3A_225] : memref<1024x2048xf32, #tpu.memory_space<hbm>> -> memref<1024x2048xf32, #tpu.memory_space<hbm>>
      tpu.enqueue_indirect_dma source(%dma_start3A_226 : memref<1024x2048xf32, #tpu.memory_space<hbm>>) target(%arg9 : memref<8x2048xf32, #tpu.memory_space<vmem>>) offsets(%dma_start3A_223 : memref<8xi32, #tpu.memory_space<vmem>>) semaphore(%arg13 : memref<!tpu.dma_semaphore, #tpu.memory_space<semaphore_mem>>)
      %scan3A_227 = arith.constant 0 : i32
      scf.yield %scan3A_227 : i32
    }
    %scan3A_66 = arith.constant 7 : i32
    %dma_wait3A_67 = arith.constant 0 : i32
    %dma_wait3A_68 = tpu.memref_slice %arg5[%dma_wait3A_67] : memref<256xi32, #tpu.memory_space<vmem>> -> memref<8xi32, #tpu.memory_space<vmem>>
    %dma_wait3A_69 = arith.constant 0 : i32
    %dma_wait3A_70 = arith.constant 0 : i32
    %dma_wait3A_71 = tpu.memref_slice %arg2[%dma_wait3A_69, %dma_wait3A_70] : memref<1024x2048xf32, #tpu.memory_space<hbm>> -> memref<1024x2048xf32, #tpu.memory_space<hbm>>
    tpu.wait_indirect_dma semaphore(%arg12 : memref<!tpu.dma_semaphore, #tpu.memory_space<semaphore_mem>>) src(%dma_wait3A_71 : memref<1024x2048xf32, #tpu.memory_space<hbm>>) dst(%arg8 : memref<8x2048xf32, #tpu.memory_space<vmem>>)
    %add3A_72 = arith.constant 240 : i32
    %add3A_73 = arith.addi %mul3A_2, %add3A_72 : i32
    %dma_start3A_74 = arith.constant 0 : i32
    %dma_start3A_75 = tpu.memref_slice %arg4[%add3A_73, %dma_start3A_74] : memref<32768x2048xf32, #tpu.memory_space<hbm>> -> memref<8x2048xf32, #tpu.memory_space<hbm>>
    %dma_start3A_76 = arith.constant 0 : i32
    %dma_start3A_77 = tpu.memref_slice %arg4[%add3A_73, %dma_start3A_76] : memref<32768x2048xf32, #tpu.memory_space<hbm>> -> memref<8x2048xf32, #tpu.memory_space<hbm>>
    tpu.enqueue_dma source(%arg8 : memref<8x2048xf32, #tpu.memory_space<vmem>>) target(%dma_start3A_77 : memref<8x2048xf32, #tpu.memory_space<hbm>>) target_semaphore(%arg16 : memref<!tpu.dma_semaphore, #tpu.memory_space<semaphore_mem>>)
    %dma_wait3A_78 = arith.constant 0 : i32
    %dma_wait3A_79 = tpu.memref_slice %arg5[%dma_wait3A_78] : memref<256xi32, #tpu.memory_space<vmem>> -> memref<8xi32, #tpu.memory_space<vmem>>
    %dma_wait3A_80 = arith.constant 0 : i32
    %dma_wait3A_81 = arith.constant 0 : i32
    %dma_wait3A_82 = tpu.memref_slice %arg2[%dma_wait3A_80, %dma_wait3A_81] : memref<1024x2048xf32, #tpu.memory_space<hbm>> -> memref<1024x2048xf32, #tpu.memory_space<hbm>>
    tpu.wait_indirect_dma semaphore(%arg13 : memref<!tpu.dma_semaphore, #tpu.memory_space<semaphore_mem>>) src(%dma_wait3A_82 : memref<1024x2048xf32, #tpu.memory_space<hbm>>) dst(%arg9 : memref<8x2048xf32, #tpu.memory_space<vmem>>)
    %add3A_83 = arith.constant 248 : i32
    %add3A_84 = arith.addi %mul3A_2, %add3A_83 : i32
    %dma_start3A_85 = arith.constant 0 : i32
    %dma_start3A_86 = tpu.memref_slice %arg4[%add3A_84, %dma_start3A_85] : memref<32768x2048xf32, #tpu.memory_space<hbm>> -> memref<8x2048xf32, #tpu.memory_space<hbm>>
    %dma_start3A_87 = arith.constant 0 : i32
    %dma_start3A_88 = tpu.memref_slice %arg4[%add3A_84, %dma_start3A_87] : memref<32768x2048xf32, #tpu.memory_space<hbm>> -> memref<8x2048xf32, #tpu.memory_space<hbm>>
    tpu.enqueue_dma source(%arg9 : memref<8x2048xf32, #tpu.memory_space<vmem>>) target(%dma_start3A_88 : memref<8x2048xf32, #tpu.memory_space<hbm>>) target_semaphore(%arg17 : memref<!tpu.dma_semaphore, #tpu.memory_space<semaphore_mem>>)
    %dma_wait3A_89 = arith.constant 0 : i32
    %dma_wait3A_90 = tpu.memref_slice %arg4[%mul3A_2, %dma_wait3A_89] : memref<32768x2048xf32, #tpu.memory_space<hbm>> -> memref<8x2048xf32, #tpu.memory_space<hbm>>
    %dma_wait3A_91 = arith.constant 0 : i32
    %dma_wait3A_92 = tpu.memref_slice %arg4[%mul3A_2, %dma_wait3A_91] : memref<32768x2048xf32, #tpu.memory_space<hbm>> -> memref<8x2048xf32, #tpu.memory_space<hbm>>
    tpu.wait_dma2 semaphore(%arg14 : memref<!tpu.dma_semaphore, #tpu.memory_space<semaphore_mem>>) src(%arg6 : memref<8x2048xf32, #tpu.memory_space<vmem>>) dst(%dma_wait3A_92 : memref<8x2048xf32, #tpu.memory_space<hbm>>)
    %dma_wait3A_93 = arith.constant 0 : i32
    %dma_wait3A_94 = tpu.memref_slice %arg4[%mul3A_2, %dma_wait3A_93] : memref<32768x2048xf32, #tpu.memory_space<hbm>> -> memref<8x2048xf32, #tpu.memory_space<hbm>>
    %dma_wait3A_95 = arith.constant 0 : i32
    %dma_wait3A_96 = tpu.memref_slice %arg4[%mul3A_2, %dma_wait3A_95] : memref<32768x2048xf32, #tpu.memory_space<hbm>> -> memref<8x2048xf32, #tpu.memory_space<hbm>>
    tpu.wait_dma2 semaphore(%arg15 : memref<!tpu.dma_semaphore, #tpu.memory_space<semaphore_mem>>) src(%arg7 : memref<8x2048xf32, #tpu.memory_space<vmem>>) dst(%dma_wait3A_96 : memref<8x2048xf32, #tpu.memory_space<hbm>>)
    %dma_wait3A_97 = arith.constant 0 : i32
    %dma_wait3A_98 = tpu.memref_slice %arg4[%mul3A_2, %dma_wait3A_97] : memref<32768x2048xf32, #tpu.memory_space<hbm>> -> memref<8x2048xf32, #tpu.memory_space<hbm>>
    %dma_wait3A_99 = arith.constant 0 : i32
    %dma_wait3A_100 = tpu.memref_slice %arg4[%mul3A_2, %dma_wait3A_99] : memref<32768x2048xf32, #tpu.memory_space<hbm>> -> memref<8x2048xf32, #tpu.memory_space<hbm>>
    tpu.wait_dma2 semaphore(%arg16 : memref<!tpu.dma_semaphore, #tpu.memory_space<semaphore_mem>>) src(%arg8 : memref<8x2048xf32, #tpu.memory_space<vmem>>) dst(%dma_wait3A_100 : memref<8x2048xf32, #tpu.memory_space<hbm>>)
    %dma_wait3A_101 = arith.constant 0 : i32
    %dma_wait3A_102 = tpu.memref_slice %arg4[%mul3A_2, %dma_wait3A_101] : memref<32768x2048xf32, #tpu.memory_space<hbm>> -> memref<8x2048xf32, #tpu.memory_space<hbm>>
    %dma_wait3A_103 = arith.constant 0 : i32
    %dma_wait3A_104 = tpu.memref_slice %arg4[%mul3A_2, %dma_wait3A_103] : memref<32768x2048xf32, #tpu.memory_space<hbm>> -> memref<8x2048xf32, #tpu.memory_space<hbm>>
    tpu.wait_dma2 semaphore(%arg17 : memref<!tpu.dma_semaphore, #tpu.memory_space<semaphore_mem>>) src(%arg9 : memref<8x2048xf32, #tpu.memory_space<vmem>>) dst(%dma_wait3A_104 : memref<8x2048xf32, #tpu.memory_space<hbm>>)
    return
  }
}

module attributes {stable_mosaic.version = 14 : i64} {
  func.func @_table_body(%arg0: memref<128x1536xf32, #tpu.memory_space<vmem>>, %arg1: memref<1x1536xf32, #tpu.memory_space<vmem>>, %arg2: memref<2048x1536xf32, #tpu.memory_space<vmem>>, %arg3: memref<1024x2048xf32, #tpu.memory_space<vmem>>) attributes {dimension_semantics = [], scalar_prefetch = 0 : i64, scratch_operands = 0 : i64, tpu.core_type = #tpu.core_type<tc>} {
    %get3A = arith.constant 0 : index
    %get3A_0 = arith.constant 0 : index
    %get3A_1 = vector.load %arg0[%get3A, %get3A_0] : memref<128x1536xf32, #tpu.memory_space<vmem>>, vector<128x1536xf32>
    %mul3A = arith.mulf %get3A_1, %get3A_1 : vector<128x1536xf32>
    %reduce_sum3A = arith.constant dense<0.000000e+00> : vector<128xf32>
    %reduce_sum3A_2 = vector.multi_reduction <add>, %mul3A, %reduce_sum3A [1] : vector<128x1536xf32> to vector<128xf32>
    %broadcast_in_dim3A = vector.shape_cast %reduce_sum3A_2 : vector<128xf32> to vector<128x1xf32>
    %div3A = arith.constant 1.536000e+03 : f32
    %div3A_3 = vector.broadcast %div3A : f32 to vector<128x1xf32>
    %div3A_4 = arith.divf %broadcast_in_dim3A, %div3A_3 : vector<128x1xf32>
    %add3A = arith.constant 9.99999997E-7 : f32
    %add3A_5 = vector.broadcast %add3A : f32 to vector<128x1xf32>
    %add3A_6 = arith.addf %div3A_4, %add3A_5 : vector<128x1xf32>
    %rsqrt3A = math.rsqrt %add3A_6 : vector<128x1xf32>
    %mul3A_7 = vector.broadcast %rsqrt3A : vector<128x1xf32> to vector<128x1536xf32>
    %mul3A_8 = arith.mulf %get3A_1, %mul3A_7 : vector<128x1536xf32>
    %get3A_9 = arith.constant 0 : index
    %get3A_10 = arith.constant 0 : index
    %get3A_11 = vector.load %arg1[%get3A_9, %get3A_10] : memref<1x1536xf32, #tpu.memory_space<vmem>>, vector<1x1536xf32>
    %mul3A_12 = vector.broadcast %get3A_11 : vector<1x1536xf32> to vector<128x1536xf32>
    %mul3A_13 = arith.mulf %mul3A_8, %mul3A_12 : vector<128x1536xf32>
    %get3A_14 = arith.constant 0 : index
    %get3A_15 = arith.constant 0 : index
    %get3A_16 = vector.load %arg2[%get3A_14, %get3A_15] : memref<2048x1536xf32, #tpu.memory_space<vmem>>, vector<2048x1536xf32>
    %dot_general3A = arith.constant dense<0.000000e+00> : vector<128x2048xf32>
    %dot_general3A_17 = tpu.matmul %mul3A_13, %get3A_16, %dot_general3A {dimension_numbers = #tpu.dot_dimension_numbers<[1], [1], [0], [0], [0, 0, 1, 0], [], []>, transpose_lhs_hint = false} : vector<128x1536xf32>, vector<2048x1536xf32>, vector<128x2048xf32> -> vector<128x2048xf32>
    %mul3A_18 = arith.mulf %dot_general3A_17, %dot_general3A_17 : vector<128x2048xf32>
    %reduce_sum3A_19 = arith.constant dense<0.000000e+00> : vector<128xf32>
    %reduce_sum3A_20 = vector.multi_reduction <add>, %mul3A_18, %reduce_sum3A_19 [1] : vector<128x2048xf32> to vector<128xf32>
    %broadcast_in_dim3A_21 = vector.shape_cast %reduce_sum3A_20 : vector<128xf32> to vector<128x1xf32>
    %div3A_22 = arith.constant 2.048000e+03 : f32
    %div3A_23 = vector.broadcast %div3A_22 : f32 to vector<128x1xf32>
    %div3A_24 = arith.divf %broadcast_in_dim3A_21, %div3A_23 : vector<128x1xf32>
    %add3A_25 = arith.constant 9.99999997E-7 : f32
    %add3A_26 = vector.broadcast %add3A_25 : f32 to vector<128x1xf32>
    %add3A_27 = arith.addf %div3A_24, %add3A_26 : vector<128x1xf32>
    %rsqrt3A_28 = math.rsqrt %add3A_27 : vector<128x1xf32>
    %mul3A_29 = vector.broadcast %rsqrt3A_28 : vector<128x1xf32> to vector<128x2048xf32>
    %mul3A_30 = arith.mulf %dot_general3A_17, %mul3A_29 : vector<128x2048xf32>
    %swap3A = arith.constant 0 : index
    %swap3A_31 = arith.constant 0 : index
    %swap3A_32 = vector.load %arg3[%swap3A, %swap3A_31] : memref<1024x2048xf32, #tpu.memory_space<vmem>>, vector<128x2048xf32>
    tpu.vector_store %arg3[%swap3A, %swap3A_31], %mul3A_30 {strides = array<i32>} : memref<1024x2048xf32, #tpu.memory_space<vmem>>, vector<128x2048xf32>,
    %swap3A_33 = arith.constant 128 : index
    %swap3A_34 = arith.constant 0 : index
    %swap3A_35 = vector.load %arg3[%swap3A_33, %swap3A_34] : memref<1024x2048xf32, #tpu.memory_space<vmem>>, vector<128x2048xf32>
    tpu.vector_store %arg3[%swap3A_33, %swap3A_34], %mul3A_30 {strides = array<i32>} : memref<1024x2048xf32, #tpu.memory_space<vmem>>, vector<128x2048xf32>,
    %swap3A_36 = arith.constant 256 : index
    %swap3A_37 = arith.constant 0 : index
    %swap3A_38 = vector.load %arg3[%swap3A_36, %swap3A_37] : memref<1024x2048xf32, #tpu.memory_space<vmem>>, vector<128x2048xf32>
    tpu.vector_store %arg3[%swap3A_36, %swap3A_37], %mul3A_30 {strides = array<i32>} : memref<1024x2048xf32, #tpu.memory_space<vmem>>, vector<128x2048xf32>,
    %swap3A_39 = arith.constant 384 : index
    %swap3A_40 = arith.constant 0 : index
    %swap3A_41 = vector.load %arg3[%swap3A_39, %swap3A_40] : memref<1024x2048xf32, #tpu.memory_space<vmem>>, vector<128x2048xf32>
    tpu.vector_store %arg3[%swap3A_39, %swap3A_40], %mul3A_30 {strides = array<i32>} : memref<1024x2048xf32, #tpu.memory_space<vmem>>, vector<128x2048xf32>,
    %swap3A_42 = arith.constant 512 : index
    %swap3A_43 = arith.constant 0 : index
    %swap3A_44 = vector.load %arg3[%swap3A_42, %swap3A_43] : memref<1024x2048xf32, #tpu.memory_space<vmem>>, vector<128x2048xf32>
    tpu.vector_store %arg3[%swap3A_42, %swap3A_43], %mul3A_30 {strides = array<i32>} : memref<1024x2048xf32, #tpu.memory_space<vmem>>, vector<128x2048xf32>,
    %swap3A_45 = arith.constant 640 : index
    %swap3A_46 = arith.constant 0 : index
    %swap3A_47 = vector.load %arg3[%swap3A_45, %swap3A_46] : memref<1024x2048xf32, #tpu.memory_space<vmem>>, vector<128x2048xf32>
    tpu.vector_store %arg3[%swap3A_45, %swap3A_46], %mul3A_30 {strides = array<i32>} : memref<1024x2048xf32, #tpu.memory_space<vmem>>, vector<128x2048xf32>,
    %swap3A_48 = arith.constant 768 : index
    %swap3A_49 = arith.constant 0 : index
    %swap3A_50 = vector.load %arg3[%swap3A_48, %swap3A_49] : memref<1024x2048xf32, #tpu.memory_space<vmem>>, vector<128x2048xf32>
    tpu.vector_store %arg3[%swap3A_48, %swap3A_49], %mul3A_30 {strides = array<i32>} : memref<1024x2048xf32, #tpu.memory_space<vmem>>, vector<128x2048xf32>,
    %swap3A_51 = arith.constant 896 : index
    %swap3A_52 = arith.constant 0 : index
    %swap3A_53 = vector.load %arg3[%swap3A_51, %swap3A_52] : memref<1024x2048xf32, #tpu.memory_space<vmem>>, vector<128x2048xf32>
    tpu.vector_store %arg3[%swap3A_51, %swap3A_52], %mul3A_30 {strides = array<i32>} : memref<1024x2048xf32, #tpu.memory_space<vmem>>, vector<128x2048xf32>,
    return
  }
}

module attributes {stable_mosaic.version = 14 : i64} {
  func.func @_onehot_fill_body(%arg0: i32, %arg1: memref<1x1x512xi32, #tpu.memory_space<vmem>>, %arg2: memref<128x2048xf32, #tpu.memory_space<vmem>>, %arg3: memref<32768x2048xf32, #tpu.memory_space<any>>, %arg4: memref<512x2048xf32, #tpu.memory_space<vmem>>) attributes {dimension_semantics = [#tpu.dimension_semantics<arbitrary>], iteration_bounds = array<i64: 48>, scalar_prefetch = 0 : i64, scratch_operands = 0 : i64, tpu.core_type = #tpu.core_type<tc>, window_params = [{transform_indices = @transform_0, window_bounds = array<i64: 1, 1, 512>}, {transform_indices = @transform_1, window_bounds = array<i64: 128, 2048>}, {}, {transform_indices = @transform_3, window_bounds = array<i64: 512, 2048>}]} {
    %get3A = arith.constant 0 : index
    %get3A_0 = arith.constant 0 : index
    %get3A_1 = arith.constant 0 : index
    %get3A_2 = vector.load %arg1[%get3A, %get3A_0, %get3A_1] : memref<1x1x512xi32, #tpu.memory_space<vmem>>, vector<1x1x512xi32>
    %get3A_3 = vector.shape_cast %get3A_2 : vector<1x1x512xi32> to vector<512xi32>
    %broadcast_in_dim3A = vector.shape_cast %get3A_3 : vector<512xi32> to vector<512x1xi32>
    %iota3A = tpu.iota {dimensions = array<i32: 1>} : vector<1x128xi32>
    %eq3A = vector.broadcast %broadcast_in_dim3A : vector<512x1xi32> to vector<512x128xi32>
    %eq3A_4 = vector.broadcast %iota3A : vector<1x128xi32> to vector<512x128xi32>
    %eq3A_5 = arith.cmpi eq, %eq3A, %eq3A_4 : vector<512x128xi32>
    %convert_element_type3A = arith.extui %eq3A_5 : vector<512x128xi1> to vector<512x128xi32>
    %convert_element_type3A_6 = arith.sitofp %convert_element_type3A : vector<512x128xi32> to vector<512x128xf32>
    %get3A_7 = arith.constant 0 : index
    %get3A_8 = arith.constant 0 : index
    %get3A_9 = vector.load %arg2[%get3A_7, %get3A_8] : memref<128x2048xf32, #tpu.memory_space<vmem>>, vector<128x2048xf32>
    %convert_element_type3A_10 = arith.truncf %get3A_9 : vector<128x2048xf32> to vector<128x2048xbf16>
    %convert_element_type3A_11 = arith.extf %convert_element_type3A_10 : vector<128x2048xbf16> to vector<128x2048xf32>
    %sub3A = arith.subf %get3A_9, %convert_element_type3A_11 : vector<128x2048xf32>
    %dot_general3A = arith.constant dense<0.000000e+00> : vector<512x2048xf32>
    %dot_general3A_12 = tpu.matmul %convert_element_type3A_6, %convert_element_type3A_11, %dot_general3A {dimension_numbers = #tpu.dot_dimension_numbers<[1], [0], [0], [1], [0, 0, 1, 1], [], []>, transpose_lhs_hint = false} : vector<512x128xf32>, vector<128x2048xf32>, vector<512x2048xf32> -> vector<512x2048xf32>
    %dot_general3A_13 = arith.constant dense<0.000000e+00> : vector<512x2048xf32>
    %dot_general3A_14 = tpu.matmul %convert_element_type3A_6, %sub3A, %dot_general3A_13 {dimension_numbers = #tpu.dot_dimension_numbers<[1], [0], [0], [1], [0, 0, 1, 1], [], []>, transpose_lhs_hint = false} : vector<512x128xf32>, vector<128x2048xf32>, vector<512x2048xf32> -> vector<512x2048xf32>
    %add3A = arith.addf %dot_general3A_12, %dot_general3A_14 : vector<512x2048xf32>
    %swap3A = arith.constant 0 : index
    %swap3A_15 = arith.constant 0 : index
    %swap3A_16 = vector.load %arg4[%swap3A, %swap3A_15] : memref<512x2048xf32, #tpu.memory_space<vmem>>, vector<512x2048xf32>
    tpu.vector_store %arg4[%swap3A, %swap3A_15], %add3A {strides = array<i32>} : memref<512x2048xf32, #tpu.memory_space<vmem>>, vector<512x2048xf32>,
    return
  }
  func.func @transform_0(%arg0: i32) -> (i32, i32, i32) {
    %c0_i32 = arith.constant 0 : i32
    %c0_i32_0 = arith.constant 0 : i32
    %c0_i32_1 = arith.constant 0 : i32
    return %arg0, %c0_i32, %c0_i32_0 : i32, i32, i32
  }
  func.func @transform_1(%arg0: i32) -> (i32, i32) {
    %c0_i32 = arith.constant 0 : i32
    %c0_i32_0 = arith.constant 0 : i32
    %c0_i32_1 = arith.constant 0 : i32
    return %c0_i32, %c0_i32_0 : i32, i32
  }
  func.func @transform_3(%arg0: i32) -> (i32, i32) {
    %add3A = arith.constant 16 : i32
    %add3A_0 = arith.addi %arg0, %add3A : i32
    %c0_i32 = arith.constant 0 : i32
    %c0_i32_1 = arith.constant 0 : i32
    return %add3A_0, %c0_i32 : i32, i32
  }
}

</mosaic_0001>

<sc_bundles>
// kernel: kernel.5.cloned.1.call-start
scs
__scs_entry_jumppad:
0x0: {  	(pc) =	sbr.rel $0x88, $3  }
0x1: {  	(tag) =	ssettag $0x0;
	lr =	simm.s32 $0x1  }
0x2: {  	[smem:$0x3F9D] =	sst lr;
	_ =	strace $0xD0000000  }
0x3: {  	_ = 	snop  }
0x4: {  	_ = 	snop  }
0x5: {  	_ = 	snop  }
0x6: {  	_ = 	snop  }
0x7: {  	_ = 	snop  }
__scs_overlays_trampoline_lowered:
0x8: {  	[smem:$0x3FAC] =	sst s0  }
0x9: {  	[smem:$0x3FAD] =	sst s1  }
0xa: {  	[smem:$0x3FAE] =	sst s2  }
0xb: {  	[smem:$0x3FAF] =	sst s3  }
0xc: {  	[smem:$0x3FB0] =	sst s4  }
0xd: {  	[smem:$0x3FB1] =	sst s5  }
0xe: {  	[smem:$0x3FB2] =	sst s6  }
0xf: {  	[smem:$0x3FB3] =	sst s7  }
0x10: {  	[smem:$0x3FB4] =	sst s8  }
0x11: {  	[smem:$0x3FB5] =	sst s9;
	s0 =	simm.s32 @!p0 $0x0  }
0x12: {  	s1 =	sld [smem:$0x3F9B];
	s0 =	simm.s32 @p0 $0x1  }
0x13: {  	[smem:$0x3FB6] =	sst s0;
	s0 =	simm.s32 @!p1 $0x0  }
0x14: {  	s2 =	sld [smem:$0x3F9A];
	s0 =	simm.s32 @p1 $0x1  }
0x15: {  	[smem:$0x3FB7] =	sst s0;
	s0 =	simm.s32 @!p2 $0x0  }
0x16: {  	s3 =	sld [smem:$0x3FDB];
	s0 =	simm.s32 @p2 $0x1  }
0x17: {  	s4 =	simm.s32 $0x1BF5;
	[smem:$0x3FB9] =	sst s0  }
0x18: {  	s0 =	sld [smem:$0x3F9C];
	_ =	swait.ge [sflag:s4], $0x0  }
0x19: {  	s7 =	sld [smem:$0x3F9D]  }
0x1a: {  	s8 =	sadd.s32 $0xFFFFE003, lr  }
0x1b: {  	s9 =	sadd.s32 $0xFFFFFEF7, lr;
	s5 =	simm.s32 $0xFFFFFFFF;
	p2 =	slt.u32 s8, $0xFFFFF086  }
0x1c: {  	p1 =	slt.u32 s9, $0xF7A;
	s5 =	simm.s32 @!p2 $0x0  }
0x1d: {  	s5 =	simm.s32 @p1 $0x1;
	p0 =	seq.s32 s7, s2  }
0x1e: {  	s7 =	smul.u32 @!p0 $0xF7A, s2;
	p2 =	seq.s32 @!p0 s5, $0x0  }
0x1f: {  	s9 =	smul.u32 $0xF7A, s1;
	s8 =	simm.s32 @!p0 $0x1BF5;
	p2 =	por !p2, p0  }
0x20: {  	[sflag:s8] =	ssyncset.s32 @!p0 $0xFFFFF086;
	s6 =	sadd.s32 @!p0 s3, s7;
	s7 =	simm.s32 @!p0 $0x108  }
0x21: {  	s3 =	sadd.s32 s3, s9;
	s6 =	sadd.s32 @!p0 $0x88, s6;
	s7 =	simm.s32 @p2 $0x1082  }
0x22: {  	[simem:s7], [sflag:s8] =	dma.local @!p0 [hbm:s6], $0xF7A  }
0x23: {  	s9 =	sor.u32 $0xD0000000, s2;
	s6 =	simm.s32 $0x108;
	_ =	swait.ge @!p0 [sflag:s8], $0x0  }
0x24: {  	s3 =	sadd.s32 $0x88, s3;
	s6 =	simm.s32 @!p1 $0x1082;
	[sflag:s4] =	ssyncset.s32 $0xFFFFF086  }
0x25: {  	[simem:s6], [sflag:s4] =	dma.local [hbm:s3], $0xF7A  }
0x26: {  	[smem:$0x3F9D] =	sst s1;
	(tag) =	ssettag s2;
	_ =	strace s9  }
0x27: {  	s1 =	sld [smem:$0x3FAD]  }
0x28: {  	s2 =	sld [smem:$0x3FAE]  }
0x29: {  	s4 =	sld [smem:$0x3FB0]  }
0x2a: {  	p0 =	seq.s32 s5, $0x0;
	s5 =	sld [smem:$0x3FB1]  }
0x2b: {  	s6 =	sld [smem:$0x3FB2]  }
0x2c: {  	s7 =	sld [smem:$0x3FB3]  }
0x2d: {  	s3 =	simm.s32 $0x108;
	s8 =	sld [smem:$0x3FB4]  }
0x2e: {  	s3 =	simm.s32 @!p0 $0x1082;
	s9 =	sld [smem:$0x3FB5]  }
0x2f: {  	lr =	sadd.s32 s0, s3;
	s0 =	sld [smem:$0x3FAC]  }
0x30: {  	s3 =	sld [smem:$0x3FAF]  }
0x31: {  	[smem:$0x3FB8] =	sst s10  }
0x32: {  	s10 =	sld [smem:$0x3FB6];
	_ =	sdelay $0x3  }
0x33: {  	p0 =	seq.s32 s10, $0x1;
	s10 =	sld [smem:$0x3FB8];
	_ =	sdelay $0x3  }
0x34: {  	[smem:$0x3FB8] =	sst s10  }
0x35: {  	s10 =	sld [smem:$0x3FB7];
	_ =	sdelay $0x3  }
0x36: {  	p1 =	seq.s32 s10, $0x1;
	s10 =	sld [smem:$0x3FB8];
	_ =	sdelay $0x3  }
0x37: {  	[smem:$0x3FB8] =	sst s10  }
0x38: {  	s10 =	sld [smem:$0x3FB9]  }
0x39: {  	_ = 	snop;
	(pc) =	sbr.ind lr, $3  }
0x3a: {  	_ = 	snop  }
0x3b: {  	_ = 	snop  }
0x3c: {  	p2 =	seq.s32 s10, $0x1;
	s10 =	sld [smem:$0x3FB8]  }
0x3d: {  	_ =	shalt  }
0x3e: {  	_ =	shalt  }
0x3f: {  	_ =	shalt  }
0x40: {  	_ =	shalt  }
0x41: {  	_ =	shalt  }
0x42: {  	_ =	shalt  }
0x43: {  	_ =	shalt  }
0x44: {  	_ =	shalt  }
0x45: {  	_ =	shalt  }
0x46: {  	_ =	shalt  }
0x47: {  	_ =	shalt  }
0x48: {  	_ =	shalt  }
0x49: {  	_ =	shalt  }
0x4a: {  	_ =	shalt  }
0x4b: {  	_ =	shalt  }
0x4c: {  	_ =	shalt  }
0x4d: {  	_ =	shalt  }
0x4e: {  	_ =	shalt  }
0x4f: {  	_ =	shalt  }
0x50: {  	_ =	shalt  }
0x51: {  	_ =	shalt  }
0x52: {  	_ =	shalt  }
0x53: {  	_ =	shalt  }
0x54: {  	_ =	shalt  }
0x55: {  	_ =	shalt  }
0x56: {  	_ =	shalt  }
0x57: {  	_ =	shalt  }
0x58: {  	_ =	shalt  }
0x59: {  	_ =	shalt  }
0x5a: {  	_ =	shalt  }
0x5b: {  	_ =	shalt  }
0x5c: {  	_ =	shalt  }
0x5d: {  	_ =	shalt  }
0x5e: {  	_ =	shalt  }
0x5f: {  	_ =	shalt  }
0x60: {  	_ =	shalt  }
0x61: {  	_ =	shalt  }
0x62: {  	_ =	shalt  }
0x63: {  	_ =	shalt  }
0x64: {  	_ =	shalt  }
0x65: {  	_ =	shalt  }
0x66: {  	_ =	shalt  }
0x67: {  	_ =	shalt  }
0x68: {  	_ =	shalt  }
0x69: {  	_ =	shalt  }
0x6a: {  	_ =	shalt  }
0x6b: {  	_ =	shalt  }
0x6c: {  	_ =	shalt  }
0x6d: {  	_ =	shalt  }
0x6e: {  	_ =	shalt  }
0x6f: {  	_ =	shalt  }
0x70: {  	_ =	shalt  }
0x71: {  	_ =	shalt  }
0x72: {  	_ =	shalt  }
0x73: {  	_ =	shalt  }
0x74: {  	_ =	shalt  }
0x75: {  	_ =	shalt  }
0x76: {  	_ =	shalt  }
0x77: {  	_ =	shalt  }
0x78: {  	_ =	shalt  }
0x79: {  	_ =	shalt  }
0x7a: {  	_ =	shalt  }
0x7b: {  	_ =	shalt  }
0x7c: {  	_ =	shalt  }
0x7d: {  	_ =	shalt  }
0x7e: {  	_ =	shalt  }
0x7f: {  	_ =	shalt  }
0x80: {  	_ =	shalt  }
0x81: {  	_ =	shalt  }
0x82: {  	_ =	shalt  }
0x83: {  	_ =	shalt  }
0x84: {  	_ =	shalt  }
0x85: {  	_ =	shalt  }
0x86: {  	_ =	shalt  }
0x87: {  	_ =	shalt  }
.Lfunc_end0:
.L_simem_size_0:
called_computation_lowered:
.L_overlay_start_0:
0x88: {  	s2 =	sld [smem:$0x3FD9]  }
0x89: {  	s3 =	sld [smem:$0x3FFE];
	_ =	sdelay $0x1  }
0x8a: {  	s1 =	srdreg.scid  }
0x8b: {  	s0 =	sand.u32 $0x1, s1  }
0x8c: {  	s17 =	sshll.u32 s0, $0xA;
	s2 =	sadd.s32 s3, s2  }
0x8d: {  	s2 =	sadd.s32 s2, s17  }
0x8e: {  	[smem:$0x3FC4] =	sst s2  }
0x8f: {  	_ = 	snop  }
0x90: {  	s2 =	sld [smem:$0x3FD0];
	(tm) =	ssettm $0x1  }
0x91: {  	s18 =	sld [smem:$0x3FFB];
	_ =	sdelay $0x3  }
0x92: {  	_ =	strace s18  }
0x93: {  	s3 =	sld [smem:$0x3FFC];
	_ =	sdelay $0x3  }
0x94: {  	_ =	strace s3  }
0x95: {  	s3 =	sld [smem:$0x3FFD];
	_ =	sdelay $0x3  }
0x96: {  	_ =	strace s3  }
0x97: {  	_ =	strace $0x8FFFFFFF  }
0x98: {  	s19 =	sld [smem:$0x3FDB];
	_ =	sdelay $0x1  }
0x99: {  	s4 =	simm.s32 $_scs_section_size  }
0x9a: {  	s5 =	simm.s32 $_size__tile_overlayer_lowered;
	s6 =	simm.s32 $_tile_overlayer_lowered  }
0x9b: {  	s22 =	simm.s32 $0x1BFF;
	s21 =	sshll.u32 s6, $0x1;
	s3 =	sadd.s32 s4, s19  }
0x9c: {  	s7 =	simm.s32 $0x0;
	s20 =	sshll.u32 s5, $0x1;
	s5 =	sadd.s32 s21, s3  }
0x9d: {  	[timem:s7], [sflag:s22] =	dma.local [hbm:s5], s20  }
0x9e: {  	_ =	swait.ge [sflag:s22], s20  }
0x9f: {  	s4 =	ssub.s32 $0x0, s20;
	[sflag:s22] =	ssyncset.done $0x0  }
0xa0: {  	[sflag:s22] =	ssyncadd.s32 s4;
	_ =	sdelay $0x1  }
0xa1: {  	s23 =	simm.s32 $0x1B8B  }
0xa2: {  	_ =	swait.ge [sflag:s23], $0x1  }
0xa3: {  	[sflag:s23] =	ssyncset.done $0x0  }
0xa4: {  	s25 =	simm.s32 $0x1B8E;
	s24 =	sld [smem:$0x3FFE];
	[sflag:s23] =	ssyncadd.s32 $0xFFFFFFFF  }
0xa5: {  	s26 =	simm.s32 $execute0_lowered;
	[smem:$0x3FD2] =	sst s25  }
0xa6: {  	s5 =	sshll.u32 s26, $0x1;
	_ =	strace $0x80000046;
	[dreg:$0x1] =	wrdreg $0xFFFFFFFF  }
0xa7: {  	s28 =	simm.s32 $_size_execute0_lowered;
	s3 =	sadd.s32 s3, s5;
	[dreg:$0x0] =	wrdreg $0x0  }
0xa8: {  	s5 =	sshll.u32 s28, $0x1;
	[dreg:$0x2] =	wrdreg s3  }
0xa9: {  	[dreg:$0x3] =	wrdreg s5  }
0xaa: {  	[dreg:$0x4] =	wrdreg $0xC0  }
0xab: {  	_ =	task [dreg:s7], $0x5FFFF  }
0xac: {  	[dreg:$0x1] =	wrdreg $0xFFFFFFFF  }
0xad: {  	[dreg:$0x0] =	wrdreg $0x60  }
0xae: {  	[dreg:$0x2] =	wrdreg s24  }
0xaf: {  	[dreg:$0x3] =	wrdreg s2  }
0xb0: {  	[dreg:$0x4] =	wrdreg $0x9  }
0xb1: {  	_ =	task.clear_ibuf [dreg:s7], $0x5FFFF;
	_ =	strace $0x90000046  }
0xb2: {  	s29 =	simm.s32 $0x9;
	_ =	strace $0x80000048  }
0xb3: {  	_ =	swait.ge [sflag:s29], $0x1  }
0xb4: {  	[sflag:s29] =	ssyncadd.s32 $0xFFFFFFFF  }
0xb5: {  	_ =	strace $0x90000048  }
0xb6: {  	_ =	sfence  }
0xb7: {  	s30 =	sld [smem:$0x0];
	_ =	sdelay $0x2  }
0xb8: {  	s31 =	sshll.u32 s1, $0xD;
	s1 =	sshrl.u32 s1, $0x2  }
0xb9: {  	s3 =	sand.u32 $0x4000, s31;
	s1 =	sadd.s32 s1, s30  }
0xba: {  	s0 =	sor.u32 s3, s0;
	s1 =	sshll.u32 s1, $0x11  }
0xbb: {  	s0 =	sor.u32 s1, s0  }
0xbc: {  	s0 =	sadd.s32 $0x8F2B, s0  }
0xbd: {  	[sflag:s0] =	ssyncadd.remote.s32 $0x1  }
0xbe: {  	_ =	sfence.sel $0xFFFF  }
0xbf: {  	[dreg:$0x0] =	wrdreg $0xFFFFFFFF;
	(pc) =	sbr.abs _section_cstart, $3  }
0xc0: {  	[dreg:$0x1] =	wrdreg $0xFFFFFFFF  }
0xc1: {  	_ =	task.clear_ibuf [dreg:s7], $0x2FFFF;
	_ =	strace $0x9FFFFFFF  }
0xc2: {  	(tm) =	ssettm $0x7FFFFFFF  }
0xc3: {  	_ =	shalt  }
tec
execute0_lowered:
.L_overlay_start_1:
0x0: {  	(tag) =	ssettag $0x1  }
0x1: {  	s0 =	rddreg [dreg:$0x0]  }
0x2: {  	s1 =	rddreg [dreg:$0x1];
	s2 =	simm.s32 $0x0  }
0x3: {  	s3 =	srdreg.scid;
	s14 =	stileid.u32;
	s31 =	simm.s32 $0x1100  }
0x4: {  	s28 =	simm.s32 $0x2900;
	s29 =	simm.s32 $0x3100;
	s30 =	simm.s32 $0x5900  }
0x5: {  	s16 =	simm.s32 $0x6;
	[smem:$0x7FF] =	sst s2;
	s4 =	sand.u32 $0x1, s3  }
0x6: {  	s17 =	sshll.u32 s14, $0x1;
	s3 =	sadd.s32 $0x1E00, s0;
	s9 =	sadd.s32 $0x2300, s0  }
0x7: {  	s10 =	sadd.s32 $0x2400, s0;
	s11 =	sadd.s32 $0x2500, s0;
	s19 =	sshll.u32 s14, $0x11  }
0x8: {  	s14 =	simm.s32 $0x4900;
	_ =	strace $0x80000047;
	s12 =	sor.u32 s4, s17  }
0x9: {  	s6 =	ssub.s32 $0x2, s4;
	s21 =	sadd.s32 s19, s1;
	s22 =	sshll.u32 s4, $0x10  }
0xa: {  	s4 =	simm.s32 $0x5;
	s17 =	simm.s32 $0x8;
	s19 =	simm.s32 $0x0  }
0xb: {  	s5 =	sshll.u32 s12, $0x5;
	s7 =	sshrl.u32 s6, $0x1;
	s8 =	sshll.u32 s12, $0x7  }
0xc: {  	s18 =	sshll.u32 s12, $0x10;
	s12 =	simm.s32 $0x7;
	[dreg:$0xa] =	wrdreg s19  }
0xd: {  	s5 =	sadd.s32 s5, s0;
	s13 =	ssub.s32 s6, s7;
	s15 =	sand.u32 $0x380, s8  }
0xe: {  	s6 =	sadd.s32 $0x2000, s0;
	s7 =	sadd.s32 $0x2100, s0;
	s8 =	sadd.s32 $0x2200, s0  }
0xf: {  	s20 =	sadd.s32 s1, s18;
	s18 =	simm.s32 $0x100;
	s1 =	simm.s32 $0x3  }
0x10: {  	s5 =	sadd.s32 $0xE00, s5;
	s23 =	sadd.s32 $0x800, s20;
	[dreg:$0x5] =	wrdreg s20  }
0x11: {  	s24 =	sadd.s32 $0xF000, s20;
	s25 =	sadd.s32 $0xF800, s20;
	[dreg:$0x4] =	wrdreg s5  }
0x12: {  	s26 =	smax.u32 s13, $0x1;
	s20 =	simm.s32 $0x900;
	[dreg:$0x6] =	wrdreg s23  }
0x13: {  	s13 =	simm.s32 $0x1;
	v0 =	vmov s15;
	s15 =	simm.s32 $0x4;
	[dreg:$0x7] =	wrdreg s24  }
0x14: {  	s5 =	sadd.s32 $0x1F00, s0;
	s0 =	sadd.s32 s22, s21;
	[dreg:$0x8] =	wrdreg s25  }
0x15: {  	v1 =	vlaneseq.u32;
	[dreg:$0x9] =	wrdreg s26;
	s23 =	simm.s32 $0x1900;
	s25 =	simm.s32 $0x2100  }
0x16: {  	v2 =	vshrl.u32 v1, $0x3;
	s26 =	simm.s32 $0x4100;
	s24 =	simm.s32 $0x8100;
	s22 =	simm.s32 $0x2  }
0x17: {  	vm0 =	vmmov $0xffff;
	v1 =	vand.u32 $0x7, v1;
	v2 =	vmul.u32 $0x8, v2;
	s21 =	simm.s32 $0xC100;
	[dreg:$0x3] =	wrdreg s0;
	s0 =	simm.s32 $0x3900  }
.LBB2_1:
0x18: {  	s19 =	rddreg [dreg:$0x4]  }
0x19: {  	[tilespmem:s2], [sflag:$0x9] =	stream.linear.gather [hbm4b:s19+s2], $0x100, $0x38;
	[tilespmem:$0x10100] =	vst v63  }
0x1a: {  	s19 =	simm.s32 $0x9  }
0x1b: {  	_ =	swait.ge [sflag:s19], $0x100  }
0x1c: {  	[sflag:s19] =	ssyncset.done $0x0  }
0x1d: {  	[sflag:s19] =	ssyncadd.s32 $0xFFFFFF00  }
0x1e: {  	v3 =	vld [tilespmem:$0x0]  }
0x1f: {  	v4 =	vld [tilespmem:$0x10]  }
0x20: {  	v5 =	vld [tilespmem:$0x20]  }
0x21: {  	v6 =	vld [tilespmem:$0x30]  }
0x22: {  	v7 =	vld [tilespmem:$0x40]  }
0x23: {  	v8 =	vld [tilespmem:$0x50]  }
0x24: {  	v9 =	vld [tilespmem:$0x60];
	v3 =	vadd.s32 v0, v3  }
0x25: {  	v50 =	vld [tilespmem:$0x70];
	[tilespmem:$0x0] =	vst v3;
	v3 =	vadd.s32 v0, v4  }
0x26: {  	[tilespmem:$0x10] =	vst v3;
	v3 =	vadd.s32 v0, v5;
	v51 =	vld.msk [tilespmem:$0x0], $0xff  }
0x27: {  	v52 =	vld [tilespmem:$0x80];
	[tilespmem:$0x20] =	vst v3;
	v3 =	vadd.s32 v0, v6  }
0x28: {  	v53 =	vld [tilespmem:$0x90];
	[tilespmem:$0x30] =	vst v3;
	v3 =	vadd.s32 v0, v7  }
0x29: {  	v54 =	vld [tilespmem:$0xA0];
	[tilespmem:$0x40] =	vst v3;
	v3 =	vadd.s32 v0, v8  }
0x2a: {  	v55 =	vld [tilespmem:$0xB0];
	[tilespmem:$0x50] =	vst v3;
	v3 =	vadd.s32 v0, v9  }
0x2b: {  	v56 =	vld [tilespmem:$0xC0];
	[tilespmem:$0x60] =	vst v3;
	v3 =	vadd.s32 v0, v50;
	v10 =	vshll.u32 v51, $0x4  }
0x2c: {  	v57 =	vld [tilespmem:$0xD0];
	v5 =	vand.u32 $0x7, v51;
	[tilespmem:$0x70] =	vst v3;
	v3 =	vadd.s32 v0, v52;
	v10 =	vand.u32 $0xFFFFFF80, v10  }
0x2d: {  	v58 =	vld [tilespmem:$0xE0];
	[tilespmem:$0x80] =	vst v3;
	v3 =	vadd.s32 v0, v53;
	v5 =	vor.u32 v5, v10  }
0x2e: {  	v59 =	vld [tilespmem:$0xF0];
	[tilespmem:$0x90] =	vst v3;
	v3 =	vadd.s32 v0, v54;
	v5 =	vperm.xlane v5, v1  }
0x2f: {  	[tilespmem:$0xA0] =	vst v3;
	v3 =	vadd.s32 v0, v55  }
0x30: {  	[tilespmem:$0xB0] =	vst v3;
	v3 =	vadd.s32 v0, v56;
	v60 =	vadd.s32 v2, v5  }
0x31: {  	[tilespmem:$0xC0] =	vst v3;
	v3 =	vadd.s32 v0, v57  }
0x32: {  	[tilespmem:$0xD0] =	vst v3;
	v3 =	vadd.s32 v0, v58  }
0x33: {  	[tilespmem:$0xE0] =	vst v3;
	v3 =	vadd.s32 v0, v59  }
0x34: {  	[tilespmem:$0xF0] =	vst v3  }
0x35: {  	[tilespmem:s18], [sflag:$0x1] =	stream.indirect_vreg.gather [hbm4b:s3+s2], $0x80, v60, vm0, $0xb8;
	[tilespmem:$0x10100] =	vst v63  }
0x36: {  	_ = 	snop  }
0x37: {  	[tilespmem:s20], [sflag:$0x1] =	stream.indirect_vreg.gather [hbm4b:s5+s2], $0x80, v60, vm0, $0xb8;
	[tilespmem:$0x10100] =	vst v63  }
0x38: {  	_ = 	snop  }
0x39: {  	[tilespmem:s31], [sflag:$0x1] =	stream.indirect_vreg.gather [hbm4b:s6+s2], $0x80, v60, vm0, $0xb8;
	[tilespmem:$0x10100] =	vst v63  }
0x3a: {  	_ = 	snop  }
0x3b: {  	[tilespmem:s23], [sflag:$0x1] =	stream.indirect_vreg.gather [hbm4b:s7+s2], $0x80, v60, vm0, $0xb8;
	[tilespmem:$0x10100] =	vst v63  }
0x3c: {  	_ = 	snop  }
0x3d: {  	[tilespmem:s25], [sflag:$0x1] =	stream.indirect_vreg.gather [hbm4b:s8+s2], $0x80, v60, vm0, $0xb8;
	[tilespmem:$0x10100] =	vst v63  }
0x3e: {  	_ = 	snop  }
0x3f: {  	[tilespmem:s28], [sflag:$0x1] =	stream.indirect_vreg.gather [hbm4b:s9+s2], $0x80, v60, vm0, $0xb8;
	[tilespmem:$0x10100] =	vst v63  }
0x40: {  	_ = 	snop  }
0x41: {  	[tilespmem:s29], [sflag:$0x1] =	stream.indirect_vreg.gather [hbm4b:s10+s2], $0x80, v60, vm0, $0xb8;
	[tilespmem:$0x10100] =	vst v63  }
0x42: {  	_ = 	snop  }
0x43: {  	[tilespmem:s0], [sflag:$0x1] =	stream.indirect_vreg.gather [hbm4b:s11+s2], $0x80, v60, vm0, $0xb8;
	[tilespmem:$0x10100] =	vst v63  }
0x44: {  	v3 =	vld.msk [tilespmem:$0x8], $0xff;
	_ =	sdelay $0x4  }
0x45: {  	v61 =	vshll.u32 v3, $0x4  }
0x46: {  	v3 =	vand.u32 $0x7, v3;
	v4 =	vand.u32 $0xFFFFFF80, v61  }
0x47: {  	v3 =	vor.u32 v3, v4  }
0x48: {  	v3 =	vperm.xlane v3, v1;
	_ =	sdelay $0x1  }
0x49: {  	v3 =	vadd.s32 v2, v3;
	_ =	sdelay $0x4  }
0x4a: {  	[tilespmem:s26], [sflag:$0x2] =	stream.indirect_vreg.gather [hbm4b:s3+s2], $0x80, v3, vm0, $0xb8;
	[tilespmem:$0x10100] =	vst v63  }
0x4b: {  	_ = 	snop  }
0x4c: {  	[tilespmem:s14], [sflag:$0x2] =	stream.indirect_vreg.gather [hbm4b:s5+s2], $0x80, v3, vm0, $0xb8;
	[tilespmem:$0x10100] =	vst v63  }
0x4d: {  	s28 =	simm.s32 $0x5100  }
0x4e: {  	[tilespmem:s28], [sflag:$0x2] =	stream.indirect_vreg.gather [hbm4b:s6+s2], $0x80, v3, vm0, $0xb8;
	[tilespmem:$0x10100] =	vst v63  }
0x4f: {  	_ = 	snop  }
0x50: {  	[tilespmem:s30], [sflag:$0x2] =	stream.indirect_vreg.gather [hbm4b:s7+s2], $0x80, v3, vm0, $0xb8;
	[tilespmem:$0x10100] =	vst v63  }
0x51: {  	s31 =	simm.s32 $0x6100  }
0x52: {  	[tilespmem:s31], [sflag:$0x2] =	stream.indirect_vreg.gather [hbm4b:s8+s2], $0x80, v3, vm0, $0xb8;
	[tilespmem:$0x10100] =	vst v63  }
0x53: {  	s14 =	simm.s32 $0x6900  }
0x54: {  	[tilespmem:s14], [sflag:$0x2] =	stream.indirect_vreg.gather [hbm4b:s9+s2], $0x80, v3, vm0, $0xb8;
	[tilespmem:$0x10100] =	vst v63  }
0x55: {  	s19 =	simm.s32 $0x7100  }
0x56: {  	[tilespmem:s19], [sflag:$0x2] =	stream.indirect_vreg.gather [hbm4b:s10+s2], $0x80, v3, vm0, $0xb8;
	[tilespmem:$0x10100] =	vst v63  }
0x57: {  	s20 =	simm.s32 $0x7900  }
0x58: {  	[tilespmem:s20], [sflag:$0x2] =	stream.indirect_vreg.gather [hbm4b:s11+s2], $0x80, v3, vm0, $0xb8;
	[tilespmem:$0x10100] =	vst v63  }
0x59: {  	_ =	swait.ge [sflag:s13], $0x4000  }
0x5a: {  	[sflag:s13] =	ssyncset.done $0x0  }
0x5b: {  	s23 =	rddreg [dreg:$0x5];
	[sflag:s13] =	ssyncadd.s32 $0xFFFFC000  }
0x5c: {  	[hbm4b:s23+s2] =	stream.linear.scatter [tilespmem:s18], [sflag:$0x5], $0x4000, $0x38;
	[tilespmem:$0x10100] =	vst v63  }
0x5d: {  	v3 =	vld.msk [tilespmem:$0x10], $0xff;
	_ =	sdelay $0x4  }
0x5e: {  	v62 =	vshll.u32 v3, $0x4  }
0x5f: {  	v3 =	vand.u32 $0x7, v3;
	v4 =	vand.u32 $0xFFFFFF80, v62  }
0x60: {  	v3 =	vor.u32 v3, v4  }
0x61: {  	v3 =	vperm.xlane v3, v1;
	_ =	sdelay $0x1  }
0x62: {  	v3 =	vadd.s32 v2, v3;
	_ =	sdelay $0x4  }
0x63: {  	[tilespmem:s24], [sflag:$0x3] =	stream.indirect_vreg.gather [hbm4b:s3+s2], $0x80, v3, vm0, $0xb8;
	[tilespmem:$0x10100] =	vst v63  }
0x64: {  	s24 =	simm.s32 $0x8900  }
0x65: {  	[tilespmem:s24], [sflag:$0x3] =	stream.indirect_vreg.gather [hbm4b:s5+s2], $0x80, v3, vm0, $0xb8;
	[tilespmem:$0x10100] =	vst v63  }
0x66: {  	s25 =	simm.s32 $0x9100  }
0x67: {  	[tilespmem:s25], [sflag:$0x3] =	stream.indirect_vreg.gather [hbm4b:s6+s2], $0x80, v3, vm0, $0xb8;
	[tilespmem:$0x10100] =	vst v63  }
0x68: {  	s28 =	simm.s32 $0x9900  }
0x69: {  	[tilespmem:s28], [sflag:$0x3] =	stream.indirect_vreg.gather [hbm4b:s7+s2], $0x80, v3, vm0, $0xb8;
	[tilespmem:$0x10100] =	vst v63  }
0x6a: {  	s31 =	simm.s32 $0xA100  }
0x6b: {  	[tilespmem:s31], [sflag:$0x3] =	stream.indirect_vreg.gather [hbm4b:s8+s2], $0x80, v3, vm0, $0xb8;
	[tilespmem:$0x10100] =	vst v63  }
0x6c: {  	s14 =	simm.s32 $0xA900  }
0x6d: {  	[tilespmem:s14], [sflag:$0x3] =	stream.indirect_vreg.gather [hbm4b:s9+s2], $0x80, v3, vm0, $0xb8;
	[tilespmem:$0x10100] =	vst v63  }
0x6e: {  	s18 =	simm.s32 $0xB100  }
0x6f: {  	[tilespmem:s18], [sflag:$0x3] =	stream.indirect_vreg.gather [hbm4b:s10+s2], $0x80, v3, vm0, $0xb8;
	[tilespmem:$0x10100] =	vst v63  }
0x70: {  	s19 =	simm.s32 $0xB900  }
0x71: {  	[tilespmem:s19], [sflag:$0x3] =	stream.indirect_vreg.gather [hbm4b:s11+s2], $0x80, v3, vm0, $0xb8;
	[tilespmem:$0x10100] =	vst v63  }
0x72: {  	_ =	swait.ge [sflag:s22], $0x4000  }
0x73: {  	[sflag:s22] =	ssyncset.done $0x0  }
0x74: {  	s20 =	rddreg [dreg:$0x6];
	[sflag:s22] =	ssyncadd.s32 $0xFFFFC000  }
0x75: {  	[hbm4b:s20+s2] =	stream.linear.scatter [tilespmem:s26], [sflag:$0x6], $0x4000, $0x38;
	[tilespmem:$0x10100] =	vst v63  }
0x76: {  	v3 =	vld.msk [tilespmem:$0x18], $0xff;
	_ =	sdelay $0x4  }
0x77: {  	v63 =	vshll.u32 v3, $0x4  }
0x78: {  	v3 =	vand.u32 $0x7, v3;
	v4 =	vand.u32 $0xFFFFFF80, v63  }
0x79: {  	v3 =	vor.u32 v3, v4  }
0x7a: {  	v3 =	vperm.xlane v3, v1;
	_ =	sdelay $0x1  }
0x7b: {  	v3 =	vadd.s32 v2, v3;
	_ =	sdelay $0x4  }
0x7c: {  	[tilespmem:s21], [sflag:$0x4] =	stream.indirect_vreg.gather [hbm4b:s3+s2], $0x80, v3, vm0, $0xb8;
	[tilespmem:$0x10100] =	vst v63  }
0x7d: {  	s23 =	simm.s32 $0xC900  }
0x7e: {  	[tilespmem:s23], [sflag:$0x4] =	stream.indirect_vreg.gather [hbm4b:s5+s2], $0x80, v3, vm0, $0xb8;
	[tilespmem:$0x10100] =	vst v63  }
0x7f: {  	s24 =	simm.s32 $0xD100  }
0x80: {  	[tilespmem:s24], [sflag:$0x4] =	stream.indirect_vreg.gather [hbm4b:s6+s2], $0x80, v3, vm0, $0xb8;
	[tilespmem:$0x10100] =	vst v63  }
0x81: {  	s29 =	simm.s32 $0x1900;
	s25 =	simm.s32 $0xD900  }
0x82: {  	[tilespmem:s25], [sflag:$0x4] =	stream.indirect_vreg.gather [hbm4b:s7+s2], $0x80, v3, vm0, $0xb8;
	[tilespmem:$0x10100] =	vst v63  }
0x83: {  	s0 =	simm.s32 $0x3100;
	s30 =	simm.s32 $0x5100;
	s26 =	simm.s32 $0xE100  }
0x84: {  	[tilespmem:s26], [sflag:$0x4] =	stream.indirect_vreg.gather [hbm4b:s8+s2], $0x80, v3, vm0, $0xb8;
	[tilespmem:$0x10100] =	vst v63  }
0x85: {  	s28 =	simm.s32 $0xE900;
	s31 =	simm.s32 $0xF100;
	s14 =	simm.s32 $0x4100  }
0x86: {  	[tilespmem:s28], [sflag:$0x4] =	stream.indirect_vreg.gather [hbm4b:s9+s2], $0x80, v3, vm0, $0xb8;
	[tilespmem:$0x10100] =	vst v63  }
0x87: {  	s18 =	simm.s32 $0xF900;
	s19 =	simm.s32 $0x38;
	s20 =	simm.s32 $0x0  }
0x88: {  	[tilespmem:s31], [sflag:$0x4] =	stream.indirect_vreg.gather [hbm4b:s10+s2], $0x80, v3, vm0, $0xb8;
	[tilespmem:$0x10100] =	vst v63  }
0x89: {  	s23 =	simm.s32 $0x4900;
	s25 =	simm.s32 $0x5900;
	s26 =	simm.s32 $0x100  }
0x8a: {  	[tilespmem:s18], [sflag:$0x4] =	stream.indirect_vreg.gather [hbm4b:s11+s2], $0x80, v3, vm0, $0xb8;
	[tilespmem:$0x10100] =	vst v63  }
.LBB2_2:
0x8b: {  	_ =	swait.ge [sflag:s1], $0x4000  }
0x8c: {  	s21 =	rddreg [dreg:$0x3]  }
0x8d: {  	[sflag:s1] =	ssyncset.done $0x0;
	s21 =	sadd.s32 s20, s21  }
0x8e: {  	s28 =	simm.s32 $0x8100;
	[sflag:s1] =	ssyncadd.s32 $0xFFFFC000;
	s24 =	sadd.s32 $0x1000, s21  }
0x8f: {  	[hbm4b:s24+s2] =	stream.linear.scatter [tilespmem:s28], [sflag:$0x7], $0x4000, $0x38;
	[tilespmem:$0x10100] =	vst v63  }
0x90: {  	_ =	swait.ge [sflag:s4], $0x4000  }
0x91: {  	[sflag:s4] =	ssyncset.done $0x0  }
0x92: {  	[sflag:s4] =	ssyncadd.s32 $0xFFFFC000  }
0x93: {  	v3 =	vld.msk [tilespmem:s19+$0xFFFFFFE8], $0xff;
	_ =	sdelay $0x4  }
0x94: {  	v4 =	vshll.u32 v3, $0x4  }
0x95: {  	v3 =	vand.u32 $0x7, v3;
	v4 =	vand.u32 $0xFFFFFF80, v4  }
0x96: {  	v3 =	vor.u32 v3, v4  }
0x97: {  	v3 =	vperm.xlane v3, v1;
	_ =	sdelay $0x1  }
0x98: {  	v3 =	vadd.s32 v2, v3;
	_ =	sdelay $0x4  }
0x99: {  	[tilespmem:s26], [sflag:$0x1] =	stream.indirect_vreg.gather [hbm4b:s3+s2], $0x80, v3, vm0, $0xb8;
	[tilespmem:$0x10100] =	vst v63  }
0x9a: {  	s31 =	simm.s32 $0x900  }
0x9b: {  	[tilespmem:s31], [sflag:$0x1] =	stream.indirect_vreg.gather [hbm4b:s5+s2], $0x80, v3, vm0, $0xb8;
	[tilespmem:$0x10100] =	vst v63  }
0x9c: {  	s31 =	simm.s32 $0x1100  }
0x9d: {  	[tilespmem:s31], [sflag:$0x1] =	stream.indirect_vreg.gather [hbm4b:s6+s2], $0x80, v3, vm0, $0xb8;
	[tilespmem:$0x10100] =	vst v63  }
0x9e: {  	_ = 	snop  }
0x9f: {  	[tilespmem:s29], [sflag:$0x1] =	stream.indirect_vreg.gather [hbm4b:s7+s2], $0x80, v3, vm0, $0xb8;
	[tilespmem:$0x10100] =	vst v63  }
0xa0: {  	s31 =	simm.s32 $0x2100  }
0xa1: {  	[tilespmem:s31], [sflag:$0x1] =	stream.indirect_vreg.gather [hbm4b:s8+s2], $0x80, v3, vm0, $0xb8;
	[tilespmem:$0x10100] =	vst v63  }
0xa2: {  	s31 =	simm.s32 $0x2900  }
0xa3: {  	[tilespmem:s31], [sflag:$0x1] =	stream.indirect_vreg.gather [hbm4b:s9+s2], $0x80, v3, vm0, $0xb8;
	[tilespmem:$0x10100] =	vst v63  }
0xa4: {  	_ = 	snop  }
0xa5: {  	[tilespmem:s0], [sflag:$0x1] =	stream.indirect_vreg.gather [hbm4b:s10+s2], $0x80, v3, vm0, $0xb8;
	[tilespmem:$0x10100] =	vst v63  }
0xa6: {  	s31 =	simm.s32 $0x3900  }
0xa7: {  	[tilespmem:s31], [sflag:$0x1] =	stream.indirect_vreg.gather [hbm4b:s11+s2], $0x80, v3, vm0, $0xb8;
	[tilespmem:$0x10100] =	vst v63  }
0xa8: {  	_ =	swait.ge [sflag:s15], $0x4000  }
0xa9: {  	[sflag:s15] =	ssyncset.done $0x0  }
0xaa: {  	s24 =	sadd.s32 $0x1800, s21;
	s31 =	simm.s32 $0xC100;
	[sflag:s15] =	ssyncadd.s32 $0xFFFFC000  }
0xab: {  	[hbm4b:s24+s2] =	stream.linear.scatter [tilespmem:s31], [sflag:$0x8], $0x4000, $0x38;
	[tilespmem:$0x10100] =	vst v63  }
0xac: {  	_ =	swait.ge [sflag:s16], $0x4000  }
0xad: {  	[sflag:s16] =	ssyncset.done $0x0  }
0xae: {  	[sflag:s16] =	ssyncadd.s32 $0xFFFFC000  }
0xaf: {  	v3 =	vld.msk [tilespmem:s19+$0xFFFFFFF0], $0xff;
	_ =	sdelay $0x4  }
0xb0: {  	v61 =	vshll.u32 v3, $0x4  }
0xb1: {  	v3 =	vand.u32 $0x7, v3;
	v4 =	vand.u32 $0xFFFFFF80, v61  }
0xb2: {  	v3 =	vor.u32 v3, v4  }
0xb3: {  	v3 =	vperm.xlane v3, v1;
	_ =	sdelay $0x1  }
0xb4: {  	v3 =	vadd.s32 v2, v3;
	_ =	sdelay $0x4  }
0xb5: {  	[tilespmem:s14], [sflag:$0x2] =	stream.indirect_vreg.gather [hbm4b:s3+s2], $0x80, v3, vm0, $0xb8;
	[tilespmem:$0x10100] =	vst v63  }
0xb6: {  	_ = 	snop  }
0xb7: {  	[tilespmem:s23], [sflag:$0x2] =	stream.indirect_vreg.gather [hbm4b:s5+s2], $0x80, v3, vm0, $0xb8;
	[tilespmem:$0x10100] =	vst v63  }
0xb8: {  	_ = 	snop  }
0xb9: {  	[tilespmem:s30], [sflag:$0x2] =	stream.indirect_vreg.gather [hbm4b:s6+s2], $0x80, v3, vm0, $0xb8;
	[tilespmem:$0x10100] =	vst v63  }
0xba: {  	_ = 	snop  }
0xbb: {  	[tilespmem:s25], [sflag:$0x2] =	stream.indirect_vreg.gather [hbm4b:s7+s2], $0x80, v3, vm0, $0xb8;
	[tilespmem:$0x10100] =	vst v63  }
0xbc: {  	s24 =	simm.s32 $0x6100  }
0xbd: {  	[tilespmem:s24], [sflag:$0x2] =	stream.indirect_vreg.gather [hbm4b:s8+s2], $0x80, v3, vm0, $0xb8;
	[tilespmem:$0x10100] =	vst v63  }
0xbe: {  	s24 =	simm.s32 $0x6900  }
0xbf: {  	[tilespmem:s24], [sflag:$0x2] =	stream.indirect_vreg.gather [hbm4b:s9+s2], $0x80, v3, vm0, $0xb8;
	[tilespmem:$0x10100] =	vst v63  }
0xc0: {  	s24 =	simm.s32 $0x7100  }
0xc1: {  	[tilespmem:s24], [sflag:$0x2] =	stream.indirect_vreg.gather [hbm4b:s10+s2], $0x80, v3, vm0, $0xb8;
	[tilespmem:$0x10100] =	vst v63  }
0xc2: {  	s24 =	simm.s32 $0x7900  }
0xc3: {  	[tilespmem:s24], [sflag:$0x2] =	stream.indirect_vreg.gather [hbm4b:s11+s2], $0x80, v3, vm0, $0xb8;
	[tilespmem:$0x10100] =	vst v63  }
0xc4: {  	_ =	swait.ge [sflag:s13], $0x4000  }
0xc5: {  	[sflag:s13] =	ssyncset.done $0x0  }
0xc6: {  	s24 =	sadd.s32 $0x2000, s21;
	[sflag:s13] =	ssyncadd.s32 $0xFFFFC000  }
0xc7: {  	[hbm4b:s24+s2] =	stream.linear.scatter [tilespmem:s26], [sflag:$0x5], $0x4000, $0x38;
	[tilespmem:$0x10100] =	vst v63  }
0xc8: {  	_ =	swait.ge [sflag:s12], $0x4000  }
0xc9: {  	[sflag:s12] =	ssyncset.done $0x0  }
0xca: {  	[sflag:s12] =	ssyncadd.s32 $0xFFFFC000  }
0xcb: {  	v3 =	vld.msk [tilespmem:s19+$0xFFFFFFF8], $0xff;
	_ =	sdelay $0x4  }
0xcc: {  	v62 =	vshll.u32 v3, $0x4  }
0xcd: {  	v3 =	vand.u32 $0x7, v3;
	v4 =	vand.u32 $0xFFFFFF80, v62  }
0xce: {  	v3 =	vor.u32 v3, v4  }
0xcf: {  	v3 =	vperm.xlane v3, v1;
	_ =	sdelay $0x1  }
0xd0: {  	v3 =	vadd.s32 v2, v3;
	_ =	sdelay $0x4  }
0xd1: {  	[tilespmem:s28], [sflag:$0x3] =	stream.indirect_vreg.gather [hbm4b:s3+s2], $0x80, v3, vm0, $0xb8;
	[tilespmem:$0x10100] =	vst v63  }
0xd2: {  	s28 =	simm.s32 $0x8900  }
0xd3: {  	[tilespmem:s28], [sflag:$0x3] =	stream.indirect_vreg.gather [hbm4b:s5+s2], $0x80, v3, vm0, $0xb8;
	[tilespmem:$0x10100] =	vst v63  }
0xd4: {  	s28 =	simm.s32 $0x9100  }
0xd5: {  	[tilespmem:s28], [sflag:$0x3] =	stream.indirect_vreg.gather [hbm4b:s6+s2], $0x80, v3, vm0, $0xb8;
	[tilespmem:$0x10100] =	vst v63  }
0xd6: {  	s28 =	simm.s32 $0x9900  }
0xd7: {  	[tilespmem:s28], [sflag:$0x3] =	stream.indirect_vreg.gather [hbm4b:s7+s2], $0x80, v3, vm0, $0xb8;
	[tilespmem:$0x10100] =	vst v63  }
0xd8: {  	s28 =	simm.s32 $0xA100  }
0xd9: {  	[tilespmem:s28], [sflag:$0x3] =	stream.indirect_vreg.gather [hbm4b:s8+s2], $0x80, v3, vm0, $0xb8;
	[tilespmem:$0x10100] =	vst v63  }
0xda: {  	s28 =	simm.s32 $0xA900  }
0xdb: {  	[tilespmem:s28], [sflag:$0x3] =	stream.indirect_vreg.gather [hbm4b:s9+s2], $0x80, v3, vm0, $0xb8;
	[tilespmem:$0x10100] =	vst v63  }
0xdc: {  	s28 =	simm.s32 $0xB100  }
0xdd: {  	[tilespmem:s28], [sflag:$0x3] =	stream.indirect_vreg.gather [hbm4b:s10+s2], $0x80, v3, vm0, $0xb8;
	[tilespmem:$0x10100] =	vst v63  }
0xde: {  	s28 =	simm.s32 $0xB900  }
0xdf: {  	[tilespmem:s28], [sflag:$0x3] =	stream.indirect_vreg.gather [hbm4b:s11+s2], $0x80, v3, vm0, $0xb8;
	[tilespmem:$0x10100] =	vst v63  }
0xe0: {  	_ =	swait.ge [sflag:s22], $0x4000  }
0xe1: {  	[sflag:s22] =	ssyncset.done $0x0  }
0xe2: {  	s21 =	sadd.s32 $0x2800, s21;
	[sflag:s22] =	ssyncadd.s32 $0xFFFFC000  }
0xe3: {  	[hbm4b:s21+s2] =	stream.linear.scatter [tilespmem:s14], [sflag:$0x6], $0x4000, $0x38;
	[tilespmem:$0x10100] =	vst v63  }
0xe4: {  	_ =	swait.ge [sflag:s17], $0x4000  }
0xe5: {  	[sflag:s17] =	ssyncset.done $0x0  }
0xe6: {  	[sflag:s17] =	ssyncadd.s32 $0xFFFFC000  }
0xe7: {  	v3 =	vld.msk [tilespmem:s19+$0x0], $0xff;
	_ =	sdelay $0x4  }
0xe8: {  	v63 =	vshll.u32 v3, $0x4  }
0xe9: {  	v3 =	vand.u32 $0x7, v3;
	v4 =	vand.u32 $0xFFFFFF80, v63  }
0xea: {  	v3 =	vor.u32 v3, v4  }
0xeb: {  	v3 =	vperm.xlane v3, v1;
	_ =	sdelay $0x1  }
0xec: {  	v3 =	vadd.s32 v2, v3;
	_ =	sdelay $0x4  }
0xed: {  	[tilespmem:s31], [sflag:$0x4] =	stream.indirect_vreg.gather [hbm4b:s3+s2], $0x80, v3, vm0, $0xb8;
	[tilespmem:$0x10100] =	vst v63  }
0xee: {  	s31 =	simm.s32 $0xC900  }
0xef: {  	[tilespmem:s31], [sflag:$0x4] =	stream.indirect_vreg.gather [hbm4b:s5+s2], $0x80, v3, vm0, $0xb8;
	[tilespmem:$0x10100] =	vst v63  }
0xf0: {  	s31 =	simm.s32 $0xD100  }
0xf1: {  	[tilespmem:s31], [sflag:$0x4] =	stream.indirect_vreg.gather [hbm4b:s6+s2], $0x80, v3, vm0, $0xb8;
	[tilespmem:$0x10100] =	vst v63  }
0xf2: {  	s31 =	simm.s32 $0xD900  }
0xf3: {  	[tilespmem:s31], [sflag:$0x4] =	stream.indirect_vreg.gather [hbm4b:s7+s2], $0x80, v3, vm0, $0xb8;
	[tilespmem:$0x10100] =	vst v63  }
0xf4: {  	s31 =	simm.s32 $0xE100  }
0xf5: {  	[tilespmem:s31], [sflag:$0x4] =	stream.indirect_vreg.gather [hbm4b:s8+s2], $0x80, v3, vm0, $0xb8;
	[tilespmem:$0x10100] =	vst v63  }
0xf6: {  	p0 =	sne.s32 s20, $0xC000;
	s31 =	simm.s32 $0xE900  }
0xf7: {  	[tilespmem:s31], [sflag:$0x4] =	stream.indirect_vreg.gather [hbm4b:s9+s2], $0x80, v3, vm0, $0xb8;
	[tilespmem:$0x10100] =	vst v63  }
.Ltmp0:
0xf8: {  	_ = 	snop;
	(pc) =	sbr.rel @p0 .LBB2_2-.Ltmp0, $4  }
0xf9: {  	s20 =	sadd.s32 $0x2000, s20;
	s31 =	simm.s32 $0xF100  }
0xfa: {  	[tilespmem:s31], [sflag:$0x4] =	stream.indirect_vreg.gather [hbm4b:s10+s2], $0x80, v3, vm0, $0xb8;
	[tilespmem:$0x10100] =	vst v63  }
0xfb: {  	s24 =	simm.s32 $0x8100;
	s21 =	simm.s32 $0xC100;
	s19 =	sadd.s32 $0x20, s19  }
0xfc: {  	[tilespmem:s18], [sflag:$0x4] =	stream.indirect_vreg.gather [hbm4b:s11+s2], $0x80, v3, vm0, $0xb8;
	[tilespmem:$0x10100] =	vst v63  }
0xfd: {  	_ =	swait.ge [sflag:s1], $0x4000  }
0xfe: {  	[sflag:s1] =	ssyncset.done $0x0  }
0xff: {  	s19 =	rddreg [dreg:$0x7];
	[sflag:s1] =	ssyncadd.s32 $0xFFFFC000  }
0x100: {  	[hbm4b:s19+s2] =	stream.linear.scatter [tilespmem:s24], [sflag:$0x7], $0x4000, $0x38;
	[tilespmem:$0x10100] =	vst v63  }
0x101: {  	_ =	swait.ge [sflag:s15], $0x4000  }
0x102: {  	[sflag:s15] =	ssyncset.done $0x0  }
0x103: {  	s25 =	rddreg [dreg:$0x8];
	[sflag:s15] =	ssyncadd.s32 $0xFFFFC000  }
0x104: {  	[hbm4b:s25+s2] =	stream.linear.scatter [tilespmem:s21], [sflag:$0x8], $0x4000, $0x38;
	[tilespmem:$0x10100] =	vst v63  }
0x105: {  	_ =	swait.ge [sflag:s4], $0x4000  }
0x106: {  	[sflag:s4] =	ssyncset.done $0x0  }
0x107: {  	[sflag:s4] =	ssyncadd.s32 $0xFFFFC000  }
0x108: {  	_ =	swait.ge [sflag:s16], $0x4000  }
0x109: {  	[sflag:s16] =	ssyncset.done $0x0  }
0x10a: {  	[sflag:s16] =	ssyncadd.s32 $0xFFFFC000  }
0x10b: {  	_ =	swait.ge [sflag:s12], $0x4000  }
0x10c: {  	[sflag:s12] =	ssyncset.done $0x0  }
0x10d: {  	[sflag:s12] =	ssyncadd.s32 $0xFFFFC000  }
0x10e: {  	_ =	swait.ge [sflag:s17], $0x4000  }
0x10f: {  	s0 =	rddreg [dreg:$0xa]  }
0x110: {  	s26 =	rddreg [dreg:$0x9];
	s0 =	sadd.s32 $0x1, s0  }
0x111: {  	p0 =	sne.s32 s0, s26  }
.Ltmp1:
0x112: {  	s20 =	simm.s32 $0x900;
	s31 =	simm.s32 $0x1100;
	(pc) =	sbr.rel @p0 .LBB2_1-.Ltmp1, $4  }
0x113: {  	s23 =	simm.s32 $0x1900;
	s28 =	simm.s32 $0x2900;
	s29 =	simm.s32 $0x3100  }
0x114: {  	s18 =	simm.s32 $0x100;
	s14 =	simm.s32 $0x4900;
	[sflag:s17] =	ssyncset.done $0x0  }
0x115: {  	s30 =	simm.s32 $0x5900;
	s25 =	simm.s32 $0x2100;
	[sflag:s17] =	ssyncadd.s32 $0xFFFFC000  }
0x116: {  	[dreg:$0xa] =	wrdreg s0;
	s0 =	simm.s32 $0x3900;
	s26 =	simm.s32 $0x4100  }
0x117: {  	_ =	sfence.sel $0x180000  }
0x118: {  	[bflag:$0x0] =	sbarrier.arrive $0xFFFF  }
0x119: {  	_ =	strace $0x90000047  }
0x11a: {  	s0 =	stileid.u32;
	[bflag:$0x2] =	sbarrier.arrive $0xFFFF  }
0x11b: {  	p0 =	sne.s32 s0, $0x0;
	s0 =	rddreg [dreg:$0x2]  }
0x11c: {  	s0 =	sadd.s32 @!p0 $0x100000, s0  }
0x11d: {  	[sflag:s0] =	ssyncadd.tile.s32 @!p0 $0x1;
	_ =	shalt  }
.Lfunc_end2:
_tile_overlayer_lowered:
.L_overlay_start_2:
0x11e: {  	(tag) =	ssettag $0x2  }
0x11f: {  	s0 =	rddreg [dreg:$0x0];
	s2 =	stileid.u32  }
0x120: {  	s1 =	rddreg [dreg:$0x1];
	p0 =	sne.s32 s2, $0x0  }
0x121: {  	s3 =	rddreg [dreg:$0x2];
	[bflag:$0x3] =	sbarrier.arrive $0xFFFF;
	s2 =	simm.s32 @!p0 $0x1C09  }
0x122: {  	[timem:s3], [sflag:s2] =	dma.local @!p0 [hbm:s0], s1  }
0x123: {  	s0 =	simm.s32 @!p0 $0x9  }
0x124: {  	_ =	swait.ge @!p0 [sflag:s0], s1  }
0x125: {  	s1 =	ssub.s32 @!p0 $0x0, s1;
	[sflag:s0] =	ssyncset.done @!p0 $0x0  }
0x126: {  	[sflag:s0] =	ssyncadd.s32 @!p0 s1  }
0x127: {  	[bflag:$0x3] =	sbarrier.arrive $0xFFFF  }
0x128: {  	_ =	shalt  }

</sc_bundles>
